<compile_context>
chip_gen: v7x
topology: tpu7x:2x2x1
jax: 0.10.2.dev20260603
libtpu: 0.0.44.dev20260713+nightly
codegen_flags: <defaults>
</compile_context>

<pallas_src>
import functools

import numpy as np

import jax
import jax.numpy as jnp
from jax import lax
from jax.experimental import pallas as pl
from jax.experimental.pallas import tpu as pltpu
from jax.experimental.pallas import tpu_sc as plsc

_E = 160000
_N = 10000
_MUL = 16
_NH = 64
_AVG = 16.0
_RC = 5.0

_F = 128
_BE1 = 4000
_BE2 = 1600
_NTILES = 16
_EPT = _E // _NTILES
_K = 80
_NCH = _EPT // _K



def _sh_coeff_table():
    s3 = np.sqrt(3.0)
    s5 = np.sqrt(5.0)
    s15 = np.sqrt(15.0)
    C = np.zeros((10, 16), np.float32)
    C[0, 0] = 1.0
    C[1, 1] = s3
    C[2, 2] = s3
    C[3, 3] = s3
    C[4, 4] = s15
    C[5, 5] = s15
    C[6, 6] = 1.5 * s5
    C[0, 6] = -0.5 * s5
    C[7, 7] = s15
    C[8, 8] = 0.5 * s15
    C[9, 8] = -0.5 * s15
    return C


_SH_C = _sh_coeff_table()

_REPK = np.zeros((16, 256), np.float32)
_TILEM = np.zeros((16, 256), np.float32)
for _k in range(9):
    _o = _k * 16
    for _m in range(16):
        _REPK[_k, _o + _m] = 1.0
        _TILEM[_m, _o + _m] = 1.0


def _wy_body(vec_ref, x_ref, w1_ref, c_ref, repk_ref, tilem_ref, out_ref):
    v = vec_ref[...]
    be = v.shape[0]
    X = jnp.broadcast_to(v[:, 0:1], (be, 16))
    Y = jnp.broadcast_to(v[:, 1:2], (be, 16))
    Z = jnp.broadcast_to(v[:, 2:3], (be, 16))
    inv = 1.0 / (jnp.sqrt(X * X + Y * Y + Z * Z) + 1e-9)
    X = X * inv
    Y = Y * inv
    Z = Z * inv
    C = c_ref[...]
    monos = [None, X, Y, Z, X * Y, Y * Z, Z * Z, X * Z, X * X, Y * Y]
    y9 = jnp.broadcast_to(C[0:1, :], (be, 16))
    for mi in range(1, 10):
        y9 = y9 + monos[mi] * C[mi:mi + 1, :]
    w = jax.nn.silu(
        jnp.dot(x_ref[...], w1_ref[...], preferred_element_type=jnp.float32)
        / 8.0
    )
    yrep = jnp.dot(y9, repk_ref[...], preferred_element_type=jnp.float32,
                   precision=lax.Precision.HIGHEST)
    wtile = jnp.dot(w, tilem_ref[...], preferred_element_type=jnp.float32,
                    precision=lax.Precision.HIGHEST)
    wy = yrep * wtile
    out_ref[0, :, :] = wy[:, :_F]
    out_ref[1, :, :] = wy[:, _F:]


def _wy_call(vectors, x, W1):
    nb = _E // _BE1
    return pl.pallas_call(
        _wy_body,
        grid=(nb,),
        in_specs=[
            pl.BlockSpec((_BE1, 3), lambda i: (i, 0)),
            pl.BlockSpec((_BE1, _NH), lambda i: (i, 0)),
            pl.BlockSpec((_NH, _MUL), lambda i: (0, 0)),
            pl.BlockSpec((10, 16), lambda i: (0, 0)),
            pl.BlockSpec((16, 256), lambda i: (0, 0)),
            pl.BlockSpec((16, 256), lambda i: (0, 0)),
        ],
        out_specs=pl.BlockSpec((2, _BE1, _F), lambda i: (0, i, 0)),
        out_shape=jax.ShapeDtypeStruct((2, _E, _F), jnp.float32),
    )(vectors, x, W1, jnp.asarray(_SH_C), jnp.asarray(_REPK),
      jnp.asarray(_TILEM))



def _sc_call(senders_t, wy, zeros_tbl):
    mesh = plsc.VectorSubcoreMesh(core_axis_name="c", subcore_axis_name="s")

    @functools.partial(
        pl.kernel,
        mesh=mesh,
        out_type=jax.ShapeDtypeStruct((2, _E, _F), jnp.float32),
        scratch_types=[
            pltpu.VMEM((_NCH, _K), jnp.int32),
            pltpu.VMEM((_K, _F), jnp.float32),
            pltpu.VMEM((_K, _F), jnp.float32),
            pltpu.VMEM_SHARED((_N, _F), jnp.float32),
            pltpu.SemaphoreType.DMA,
            pltpu.SemaphoreType.DMA,
        ],
    )
    def sc(sd_ref, wy_ref, z_ref, out_ref, idx_v, rows_a, rows_b, tbl,
           sem_a, sem_b):
        cid = lax.axis_index("c")
        sid = lax.axis_index("s")
        zr = 632
        z0 = jnp.minimum(sid * zr, _N - zr)
        pltpu.sync_copy(z_ref.at[pl.ds(z0, zr)], tbl.at[pl.ds(z0, zr)])
        pltpu.sync_copy(sd_ref.at[sid], idx_v)
        plsc.subcore_barrier()
        e0 = sid * _EPT
        npairs = (_NCH - 1) // 2

        def wyat(j):
            return wy_ref.at[cid, pl.ds(e0 + j * _K, _K)]

        pltpu.async_copy(wyat(0), rows_a, sem_a)

        def scatter_pair(p, carry):
            j0 = 2 * p
            pltpu.async_copy(wyat(j0 + 1), rows_b, sem_b)
            pltpu.make_async_copy(wyat(j0), rows_a, sem_a).wait()
            pltpu.sync_copy(rows_a, tbl.at[idx_v.at[j0]], add=True)
            pltpu.async_copy(wyat(j0 + 2), rows_a, sem_a)
            pltpu.make_async_copy(wyat(j0 + 1), rows_b, sem_b).wait()
            pltpu.sync_copy(rows_b, tbl.at[idx_v.at[j0 + 1]], add=True)
            return carry

        lax.fori_loop(0, npairs, scatter_pair, 0)
        pltpu.make_async_copy(wyat(_NCH - 1), rows_a, sem_a).wait()
        pltpu.sync_copy(rows_a, tbl.at[idx_v.at[_NCH - 1]], add=True)
        plsc.subcore_barrier()

        def outat(j):
            return out_ref.at[cid, pl.ds(e0 + j * _K, _K)]

        pltpu.async_copy(tbl.at[idx_v.at[0]], rows_a, sem_a)

        def gather_pair(p, carry):
            j0 = 2 * p
            pltpu.async_copy(tbl.at[idx_v.at[j0 + 1]], rows_b, sem_b)
            pltpu.make_async_copy(tbl.at[idx_v.at[j0]], rows_a, sem_a).wait()
            pltpu.sync_copy(rows_a, outat(j0))
            pltpu.async_copy(tbl.at[idx_v.at[j0 + 2]], rows_a, sem_a)
            pltpu.make_async_copy(tbl.at[idx_v.at[j0 + 1]],
                                  rows_b, sem_b).wait()
            pltpu.sync_copy(rows_b, outat(j0 + 1))
            return carry

        lax.fori_loop(0, npairs, gather_pair, 0)
        pltpu.make_async_copy(tbl.at[idx_v.at[_NCH - 1]],
                              rows_a, sem_a).wait()
        pltpu.sync_copy(rows_a, outat(_NCH - 1))

    return sc(senders_t, wy, zeros_tbl)



_P_IN = np.zeros((144, 144), np.float32)
for _m in range(16):
    for _j in range(9):
        _P_IN[_m * 9 + _j, _j * 16 + _m] = 1.0

_REP9 = np.zeros((16, 144), np.float32)
_REP8 = np.zeros((16, 128), np.float32)
for _m in range(16):
    for _g in range(9):
        _REP9[_m, _g * 16 + _m] = 1.0
    for _g in range(8):
        _REP8[_m, _g * 16 + _m] = 1.0

_INV48 = float(1.0 / np.sqrt(48.0))
_I9 = np.eye(9, dtype=np.float32)
_MD = np.zeros((3, 9), np.float32)
_MD[0, 5] = 1.0
_MD[1, 7] = 1.0
_MD[2, 4] = 1.0
_ME = np.zeros((2, 9), np.float32)
_ME[0, 6] = 1.0
_ME[1, 8] = 1.0


def _make_tail_weights(Wl1, Wl2):
    def bd(w_blocks, jmap):
        t = w_blocks[:, :, :, None] * jmap[:, None, None, :]
        return t.reshape(w_blocks.shape[0] * 16, 144)

    z16 = jnp.zeros((1, 16, 16), jnp.float32)
    wl1a = jnp.broadcast_to(Wl1[0:16][None], (3, 16, 16))
    wl2a = jnp.broadcast_to(Wl2[0:16][None], (5, 16, 16))
    bd_a = bd(jnp.concatenate([z16, wl1a, wl2a], axis=0),
              jnp.asarray(_I9))
    wl1b = jnp.broadcast_to(Wl1[16:32][None], (3, 16, 16))
    wl2b = jnp.broadcast_to(Wl2[16:32][None], (5, 16, 16))
    bd_b = bd(jnp.concatenate([wl1b, wl2b], axis=0),
              jnp.asarray(_I9[1:9]))
    bd_c = bd(jnp.broadcast_to(Wl1[32:48][None], (3, 16, 16)),
              jnp.asarray(_I9[1:4]))
    bd_d = bd(jnp.broadcast_to(Wl2[32:48][None], (3, 16, 16)),
              jnp.asarray(_MD))
    bd_e = bd(jnp.broadcast_to(Wl2[32:48][None], (2, 16, 16)),
              jnp.asarray(_ME))
    return bd_a, bd_b, bd_c, bd_d, bd_e


def _tail_body(vec_ref, x_ref, v_ref, wys_ref, w2a_ref, w2b_ref, w2c_ref,
               pin_ref, rep9_ref, rep8_ref, bda_ref, bdb_ref, bdc_ref,
               bdd_ref, bde_ref, xout_ref, vout_ref):
    scale = 1.0 / jnp.sqrt(_AVG)
    S0 = wys_ref[0, :, :]
    S1 = wys_ref[1, :, :]
    SA = jnp.concatenate([S0, S1[:, 0:16]], axis=1) * scale
    Vt = jnp.dot(v_ref[...], pin_ref[...],
                 preferred_element_type=jnp.float32,
                 precision=lax.Precision.HIGHEST)

    PRODA = SA * Vt
    A0r = jnp.dot(SA[:, 0:16], rep9_ref[...],
                  preferred_element_type=jnp.float32,
                  precision=lax.Precision.HIGHEST)
    PROD0 = A0r * Vt
    V0r = jnp.dot(Vt[:, 0:16], rep8_ref[...],
                  preferred_element_type=jnp.float32,
                  precision=lax.Precision.HIGHEST)
    PRODK = SA[:, 16:144] * V0r
    X1 = (jnp.concatenate([SA[:, 32:48], SA[:, 48:64], SA[:, 16:32]], axis=1)
          * jnp.concatenate([Vt[:, 48:64], Vt[:, 16:32], Vt[:, 32:48]],
                            axis=1))
    X2 = (jnp.concatenate([SA[:, 48:64], SA[:, 16:32], SA[:, 32:48]], axis=1)
          * jnp.concatenate([Vt[:, 32:48], Vt[:, 48:64], Vt[:, 16:32]],
                            axis=1))

    def pa(k):
        return PRODA[:, k * 16:(k + 1) * 16]

    inv2 = 1.0 / jnp.sqrt(2.0)
    crossS = (X1 - X2) * inv2
    stS = (X1 + X2) * inv2
    st2 = (2.0 * pa(3) - pa(1) - pa(2)) * (inv2 / jnp.sqrt(3.0))
    st4 = (pa(1) - pa(2)) * inv2
    st24 = jnp.concatenate([st2, st4], axis=1)

    s1 = pa(0)
    s2 = (pa(1) + pa(2) + pa(3)) / jnp.sqrt(3.0)
    s3 = (pa(4) + pa(5) + pa(6) + pa(7) + pa(8)) / jnp.sqrt(5.0)
    x2 = jnp.concatenate([x_ref[...], s1, s2, s3], axis=1)
    h = jax.nn.silu(
        jnp.dot(x2, w2a_ref[...], preferred_element_type=jnp.float32)
        / jnp.sqrt(112.0))
    h = jax.nn.silu(
        jnp.dot(h, w2b_ref[...], preferred_element_type=jnp.float32) / 8.0)
    h = jnp.dot(h, w2c_ref[...], preferred_element_type=jnp.float32) / 8.0

    v = vec_ref[...]
    ln = jnp.sqrt(v[:, 0:1] ** 2 + v[:, 1:2] ** 2 + v[:, 2:3] ** 2)
    t = ln / _RC
    t2 = t * t
    t4 = t2 * t2
    t6 = t4 * t2
    t7 = t6 * t
    t8 = t7 * t
    env = jnp.where(t < 1.0, 1.0 - 28.0 * t6 + 48.0 * t7 - 21.0 * t8, 0.0)
    xout_ref[...] = env * h

    vout_ref[...] = (
        jnp.dot(PROD0, bda_ref[...], preferred_element_type=jnp.float32)
        + jnp.dot(PRODK, bdb_ref[...], preferred_element_type=jnp.float32)
        + jnp.dot(crossS, bdc_ref[...], preferred_element_type=jnp.float32)
        + jnp.dot(stS, bdd_ref[...], preferred_element_type=jnp.float32)
        + jnp.dot(st24, bde_ref[...], preferred_element_type=jnp.float32)
    ) * _INV48


def _tail_call(vectors, x, V, wys, W2a, W2b, W2c, Wl1, Wl2):
    nb = _E // _BE2
    bd_a, bd_b, bd_c, bd_d, bd_e = _make_tail_weights(Wl1, Wl2)
    return pl.pallas_call(
        _tail_body,
        grid=(nb,),
        in_specs=[
            pl.BlockSpec((_BE2, 3), lambda i: (i, 0)),
            pl.BlockSpec((_BE2, _NH), lambda i: (i, 0)),
            pl.BlockSpec((_BE2, _MUL * 9), lambda i: (i, 0)),
            pl.BlockSpec((2, _BE2, _F), lambda i: (0, i, 0)),
            pl.BlockSpec((_NH + 3 * _MUL, _NH), lambda i: (0, 0)),
            pl.BlockSpec((_NH, _NH), lambda i: (0, 0)),
            pl.BlockSpec((_NH, _NH), lambda i: (0, 0)),
            pl.BlockSpec((144, 144), lambda i: (0, 0)),
            pl.BlockSpec((16, 144), lambda i: (0, 0)),
            pl.BlockSpec((16, 128), lambda i: (0, 0)),
            pl.BlockSpec((144, 144), lambda i: (0, 0)),
            pl.BlockSpec((128, 144), lambda i: (0, 0)),
            pl.BlockSpec((48, 144), lambda i: (0, 0)),
            pl.BlockSpec((48, 144), lambda i: (0, 0)),
            pl.BlockSpec((32, 144), lambda i: (0, 0)),
        ],
        out_specs=[
            pl.BlockSpec((_BE2, _NH), lambda i: (i, 0)),
            pl.BlockSpec((_BE2, _MUL * 9), lambda i: (i, 0)),
        ],
        out_shape=[
            jax.ShapeDtypeStruct((_E, _NH), jnp.float32),
            jax.ShapeDtypeStruct((_E, _MUL * 9), jnp.float32),
        ],
    )(vectors, x, V, wys, W2a, W2b, W2c,
      jnp.asarray(_P_IN), jnp.asarray(_REP9), jnp.asarray(_REP8),
      bd_a, bd_b, bd_c, bd_d, bd_e)


def kernel(vectors, x, V, senders, W1, W2a, W2b, W2c, Wl1, Wl2):
    wy = _wy_call(vectors, x, W1)
    senders_t = senders.astype(jnp.int32).reshape(_NTILES, _NCH, _K)
    zeros_tbl = jnp.zeros((_N, _F), jnp.float32)
    wys = _sc_call(senders_t, wy, zeros_tbl)
    x_out, V_out = _tail_call(vectors, x, V, wys, W2a, W2b, W2c, Wl1, Wl2)
    return x_out, V_out

# --- scband reference (transcript-rebuilt; emitter-appended) ---
"""Pipeline reference for scband-allegro-haiku-layer-8933531975690 (READ-ONLY COPY).

The authoritative reference and input builder live on the scoring server;
editing this copy changes nothing except your own understanding.
"""

import jax, jax.numpy as jnp
import numpy as np

E = 160000
N_NODES = 10000
MUL = 16
NH = 64
AVG = 16.0
RC = 5.0


def _sh(vn):
    X = vn[:, 0]; Y = vn[:, 1]; Z = vn[:, 2]
    s3 = jnp.sqrt(3.0); s5 = jnp.sqrt(5.0); s15 = jnp.sqrt(15.0)
    a = jnp.sqrt(35.0 / 8.0); b = jnp.sqrt(105.0); c = jnp.sqrt(21.0 / 8.0)
    d = jnp.sqrt(7.0) / 2.0; e = jnp.sqrt(105.0) / 2.0
    comps = [
        jnp.ones_like(X),
        s3 * X, s3 * Y, s3 * Z,
        s15 * X * Y, s15 * Y * Z, (s5 / 2.0) * (3.0 * Z ** 2 - 1.0), s15 * X * Z, (s15 / 2.0) * (X ** 2 - Y ** 2),
        a * Y * (3.0 * X ** 2 - Y ** 2), b * X * Y * Z, c * Y * (5.0 * Z ** 2 - 1.0), d * Z * (5.0 * Z ** 2 - 3.0), c * X * (5.0 * Z ** 2 - 1.0), e * Z * (X ** 2 - Y ** 2), a * X * (X ** 2 - 3.0 * Y ** 2),
    ]
    return jnp.stack(comps, axis=-1)


def _sym_traceless(aa, bb):
    ax = aa[..., 0]; ay = aa[..., 1]; az = aa[..., 2]
    bx = bb[..., 0]; by = bb[..., 1]; bz = bb[..., 2]
    t0 = ax * by + ay * bx
    t1 = ay * bz + az * by
    t2 = (2.0 * az * bz - ax * bx - ay * by) / jnp.sqrt(3.0)
    t3 = ax * bz + az * bx
    t4 = ax * bx - ay * by
    return jnp.stack([t0, t1, t2, t3, t4], axis=-1) / jnp.sqrt(2.0)


def setup_inputs(seed: int = 0):
    key = jax.random.key(seed)
    ks = jax.random.split(key, 10)
    vectors = jax.random.normal(ks[0], (E, 3), dtype=jnp.float32)
    x = jax.random.normal(ks[1], (E, NH), dtype=jnp.float32)
    V = jax.random.normal(ks[2], (E, MUL * 9), dtype=jnp.float32)
    senders = jax.random.randint(ks[3], (E,), 0, N_NODES)
    W1 = jax.random.normal(ks[4], (NH, MUL), dtype=jnp.float32)
    W2a = jax.random.normal(ks[5], (NH + 3 * MUL, NH), dtype=jnp.float32)
    W2b = jax.random.normal(ks[6], (NH, NH), dtype=jnp.float32)
    W2c = jax.random.normal(ks[7], (NH, NH), dtype=jnp.float32)
    Wl1 = jax.random.normal(ks[8], (3 * MUL, MUL), dtype=jnp.float32)
    Wl2 = jax.random.normal(ks[9], (3 * MUL, MUL), dtype=jnp.float32)
    return {"vectors": vectors, "x": x, "V": V, "senders": senders,
            "W1": W1, "W2a": W2a, "W2b": W2b, "W2c": W2c, "Wl1": Wl1, "Wl2": Wl2}


def reference(vectors, x, V, senders, W1, W2a, W2b, W2c, Wl1, Wl2):
    n = x.shape[0]
    lengths = jnp.linalg.norm(vectors, axis=1, keepdims=True)
    vn = vectors / (lengths + 1e-9)
    Y = _sh(vn)  # [E, 16]
    # env MLP -> per-channel edge weights
    w = jax.nn.silu(x @ W1 / jnp.sqrt(x.shape[1]))  # [E, MUL]
    wY = w[:, :, None] * Y[:, None, :]  # [E, MUL, 16]
    agg = jax.ops.segment_sum(wY, senders, num_segments=N_NODES)
    wYs = agg[senders] / jnp.sqrt(AVG)  # scatter-sum + map back
    Vr = V.reshape(n, MUL, 9)
    V0 = Vr[..., 0:1]; V1 = Vr[..., 1:4]; V2 = Vr[..., 4:9]
    A0 = wYs[..., 0:1]; A1 = wYs[..., 1:4]; A2 = wYs[..., 4:9]
    # 0e outputs of the tensor product -> appended to scalar track
    s1 = (A0 * V0)[..., 0]
    s2 = jnp.sum(A1 * V1, axis=-1) / jnp.sqrt(3.0)
    s3 = jnp.sum(A2 * V2, axis=-1) / jnp.sqrt(5.0)
    x2 = jnp.concatenate([x, s1, s2, s3], axis=1)  # [E, NH + 3*MUL]
    h = jax.nn.silu(x2 @ W2a / jnp.sqrt(x2.shape[1]))
    h = jax.nn.silu(h @ W2b / jnp.sqrt(h.shape[1]))
    h = h @ W2c / jnp.sqrt(h.shape[1])
    t = lengths / RC
    env = jnp.where(t < 1.0, 1.0 - 28.0 * t ** 6 + 48.0 * t ** 7 - 21.0 * t ** 8, 0.0)
    x_out = env * h  # [E, NH]
    # 1o outputs
    p1 = A0 * V1
    p2 = A1 * V0
    p3 = jnp.cross(A1, V1) / jnp.sqrt(2.0)
    cat1 = jnp.concatenate([p1, p2, p3], axis=1)  # [E, 3*MUL, 3]
    V1_out = jnp.einsum('ecd,ck->ekd', cat1, Wl1) / jnp.sqrt(cat1.shape[1])
    # 2e outputs
    q1 = A0 * V2
    q2 = A2 * V0
    q3 = _sym_traceless(A1, V1)
    cat2 = jnp.concatenate([q1, q2, q3], axis=1)  # [E, 3*MUL, 5]
    V2_out = jnp.einsum('ecd,ck->ekd', cat2, Wl2) / jnp.sqrt(cat2.shape[1])
    V0_out = jnp.zeros((n, MUL, 1), dtype=V.dtype)  # no 0e input paths after filtering
    V_out = jnp.concatenate([V0_out, V1_out, V2_out], axis=-1).reshape(n, MUL * 9)
    return x_out, V_out

if __name__ == "__main__":
    import jax
    _d = setup_inputs()
    print(jax.jit(kernel)(*tuple(_d.values())))

</pallas_src>

<mosaic_0001>
#map = affine_map<(d0, d1) -> (0, 0, 0)>
#map1 = affine_map<(d0, d1) -> (0, 0)>
module attributes {stable_mosaic.version = 14 : i64} {
  func.func @sc(%arg0: i32, %arg1: i32, %arg2: memref<16x125x80xi32, #tpu.memory_space<hbm>>, %arg3: memref<2x160000x128xf32, #tpu.memory_space<hbm>>, %arg4: memref<10000x128xf32, #tpu.memory_space<hbm>>, %arg5: memref<2x160000x128xf32, #tpu.memory_space<hbm>>, %arg6: memref<125x80xi32, #tpu.memory_space<vmem>>, %arg7: memref<80x128xf32, #tpu.memory_space<vmem>>, %arg8: memref<80x128xf32, #tpu.memory_space<vmem>>, %arg9: memref<10000x128xf32, #tpu.memory_space<vmem_shared>>, %arg10: memref<!tpu.dma_semaphore, #tpu.memory_space<semaphore_mem>>, %arg11: memref<!tpu.dma_semaphore, #tpu.memory_space<semaphore_mem>>) attributes {dimension_semantics = [#tpu.dimension_semantics<core_parallel>, #tpu.dimension_semantics<subcore_parallel>], iteration_bounds = array<i64: 2, 16>, scalar_prefetch = 0 : i64, scratch_operands = 6 : i64, tpu.core_type = #tpu.core_type<sc_vector_subcore>, window_params = [{transform_indices = #map}, {transform_indices = #map}, {transform_indices = #map1}, {transform_indices = #map}]} {
    %mul3A = arith.constant 632 : i32
    %mul3A_0 = arith.muli %arg1, %mul3A : i32
    %min3A = arith.constant 9368 : i32
    %min3A_1 = arith.minsi %mul3A_0, %min3A : i32
    "tpu.region"() ({
      %run_scoped3A_45 = tpu.sem_alloc : memref<!tpu.dma_semaphore, #tpu.memory_space<semaphore_mem>>
      %dma_start3A_46 = arith.constant 0 : i32
      %dma_start3A_47 = tpu.memref_slice %arg9[%min3A_1, %dma_start3A_46] : memref<10000x128xf32, #tpu.memory_space<vmem_shared>> -> memref<632x128xf32, #tpu.memory_space<vmem_shared>>
      %dma_start3A_48 = arith.constant 0 : i32
      %dma_start3A_49 = tpu.memref_slice %arg4[%min3A_1, %dma_start3A_48] : memref<10000x128xf32, #tpu.memory_space<hbm>> -> memref<632x128xf32, #tpu.memory_space<hbm>>
      tpu.enqueue_dma source(%dma_start3A_49 : memref<632x128xf32, #tpu.memory_space<hbm>>) target(%dma_start3A_47 : memref<632x128xf32, #tpu.memory_space<vmem_shared>>) target_semaphore(%run_scoped3A_45 : memref<!tpu.dma_semaphore, #tpu.memory_space<semaphore_mem>>)
      %dma_wait3A_50 = arith.constant 0 : i32
      %dma_wait3A_51 = tpu.memref_slice %arg9[%min3A_1, %dma_wait3A_50] : memref<10000x128xf32, #tpu.memory_space<vmem_shared>> -> memref<632x128xf32, #tpu.memory_space<vmem_shared>>
      %dma_wait3A_52 = arith.constant 0 : i32
      %dma_wait3A_53 = tpu.memref_slice %arg4[%min3A_1, %dma_wait3A_52] : memref<10000x128xf32, #tpu.memory_space<hbm>> -> memref<632x128xf32, #tpu.memory_space<hbm>>
      tpu.wait_dma2 semaphore(%run_scoped3A_45 : memref<!tpu.dma_semaphore, #tpu.memory_space<semaphore_mem>>) src(%dma_wait3A_53 : memref<632x128xf32, #tpu.memory_space<hbm>>) dst(%dma_wait3A_51 : memref<632x128xf32, #tpu.memory_space<vmem_shared>>)
      tpu.yield
    }) : () -> ()
    "tpu.region"() ({
      %run_scoped3A_45 = tpu.sem_alloc : memref<!tpu.dma_semaphore, #tpu.memory_space<semaphore_mem>>
      %dma_start3A_46 = arith.constant 0 : i32
      %dma_start3A_47 = arith.constant 0 : i32
      %dma_start3A_48 = tpu.memref_slice %arg2[%arg1, %dma_start3A_46, %dma_start3A_47] : memref<16x125x80xi32, #tpu.memory_space<hbm>> -> memref<1x125x80xi32, #tpu.memory_space<hbm>>
      %dma_start3A_49 = tpu.memref_squeeze %dma_start3A_48 : memref<1x125x80xi32, #tpu.memory_space<hbm>> -> memref<125x80xi32, #tpu.memory_space<hbm>>
      %dma_start3A_50 = arith.constant 0 : i32
      %dma_start3A_51 = arith.constant 0 : i32
      %dma_start3A_52 = tpu.memref_slice %arg2[%arg1, %dma_start3A_50, %dma_start3A_51] : memref<16x125x80xi32, #tpu.memory_space<hbm>> -> memref<1x125x80xi32, #tpu.memory_space<hbm>>
      %dma_start3A_53 = tpu.memref_squeeze %dma_start3A_52 : memref<1x125x80xi32, #tpu.memory_space<hbm>> -> memref<125x80xi32, #tpu.memory_space<hbm>>
      tpu.enqueue_dma source(%dma_start3A_53 : memref<125x80xi32, #tpu.memory_space<hbm>>) target(%arg6 : memref<125x80xi32, #tpu.memory_space<vmem>>) target_semaphore(%run_scoped3A_45 : memref<!tpu.dma_semaphore, #tpu.memory_space<semaphore_mem>>)
      %dma_wait3A_54 = arith.constant 0 : i32
      %dma_wait3A_55 = arith.constant 0 : i32
      %dma_wait3A_56 = tpu.memref_slice %arg2[%arg1, %dma_wait3A_54, %dma_wait3A_55] : memref<16x125x80xi32, #tpu.memory_space<hbm>> -> memref<1x125x80xi32, #tpu.memory_space<hbm>>
      %dma_wait3A_57 = tpu.memref_squeeze %dma_wait3A_56 : memref<1x125x80xi32, #tpu.memory_space<hbm>> -> memref<125x80xi32, #tpu.memory_space<hbm>>
      %dma_wait3A_58 = arith.constant 0 : i32
      %dma_wait3A_59 = arith.constant 0 : i32
      %dma_wait3A_60 = tpu.memref_slice %arg2[%arg1, %dma_wait3A_58, %dma_wait3A_59] : memref<16x125x80xi32, #tpu.memory_space<hbm>> -> memref<1x125x80xi32, #tpu.memory_space<hbm>>
      %dma_wait3A_61 = tpu.memref_squeeze %dma_wait3A_60 : memref<1x125x80xi32, #tpu.memory_space<hbm>> -> memref<125x80xi32, #tpu.memory_space<hbm>>
      tpu.wait_dma2 semaphore(%run_scoped3A_45 : memref<!tpu.dma_semaphore, #tpu.memory_space<semaphore_mem>>) src(%dma_wait3A_61 : memref<125x80xi32, #tpu.memory_space<hbm>>) dst(%arg6 : memref<125x80xi32, #tpu.memory_space<vmem>>)
      tpu.yield
    }) : () -> ()
    %barrier3A = arith.constant 0 : index
    tpu.barrier barrier_id(%barrier3A)
    %mul3A_2 = arith.constant 10000 : i32
    %mul3A_3 = arith.muli %arg1, %mul3A_2 : i32
    %add3A = arith.constant 0 : i32
    %add3A_4 = arith.addi %mul3A_3, %add3A : i32
    %dma_start3A = arith.constant 0 : i32
    %dma_start3A_5 = tpu.memref_slice %arg3[%arg0, %add3A_4, %dma_start3A] : memref<2x160000x128xf32, #tpu.memory_space<hbm>> -> memref<1x80x128xf32, #tpu.memory_space<hbm>>
    %dma_start3A_6 = tpu.memref_squeeze %dma_start3A_5 : memref<1x80x128xf32, #tpu.memory_space<hbm>> -> memref<80x128xf32, #tpu.memory_space<hbm>>
    %dma_start3A_7 = arith.constant 0 : i32
    %dma_start3A_8 = tpu.memref_slice %arg3[%arg0, %add3A_4, %dma_start3A_7] : memref<2x160000x128xf32, #tpu.memory_space<hbm>> -> memref<1x80x128xf32, #tpu.memory_space<hbm>>
    %dma_start3A_9 = tpu.memref_squeeze %dma_start3A_8 : memref<1x80x128xf32, #tpu.memory_space<hbm>> -> memref<80x128xf32, #tpu.memory_space<hbm>>
    tpu.enqueue_dma source(%dma_start3A_9 : memref<80x128xf32, #tpu.memory_space<hbm>>) target(%arg7 : memref<80x128xf32, #tpu.memory_space<vmem>>) target_semaphore(%arg10 : memref<!tpu.dma_semaphore, #tpu.memory_space<semaphore_mem>>)
    %scan3A = arith.constant 0 : i32
    %scan3A_10 = arith.constant 0 : i32
    %scan3A_11 = arith.constant 62 : i32
    %scan3A_12 = arith.addi %scan3A_10, %scan3A_11 : i32
    %scan3A_13 = arith.constant 1 : i32
    scf.for %scan3A_45 = %scan3A_10 to %scan3A_12 step %scan3A_13  : i32 {
      %mul3A_46 = arith.constant 2 : i32
      %mul3A_47 = arith.muli %mul3A_46, %scan3A_45 : i32
      %add3A_48 = arith.constant 1 : i32
      %add3A_49 = arith.addi %mul3A_47, %add3A_48 : i32
      %mul3A_50 = arith.constant 80 : i32
      %mul3A_51 = arith.muli %add3A_49, %mul3A_50 : i32
      %add3A_52 = arith.addi %mul3A_3, %mul3A_51 : i32
      %dma_start3A_53 = arith.constant 0 : i32
      %dma_start3A_54 = tpu.memref_slice %arg3[%arg0, %add3A_52, %dma_start3A_53] : memref<2x160000x128xf32, #tpu.memory_space<hbm>> -> memref<1x80x128xf32, #tpu.memory_space<hbm>>
      %dma_start3A_55 = tpu.memref_squeeze %dma_start3A_54 : memref<1x80x128xf32, #tpu.memory_space<hbm>> -> memref<80x128xf32, #tpu.memory_space<hbm>>
      %dma_start3A_56 = arith.constant 0 : i32
      %dma_start3A_57 = tpu.memref_slice %arg3[%arg0, %add3A_52, %dma_start3A_56] : memref<2x160000x128xf32, #tpu.memory_space<hbm>> -> memref<1x80x128xf32, #tpu.memory_space<hbm>>
      %dma_start3A_58 = tpu.memref_squeeze %dma_start3A_57 : memref<1x80x128xf32, #tpu.memory_space<hbm>> -> memref<80x128xf32, #tpu.memory_space<hbm>>
      tpu.enqueue_dma source(%dma_start3A_58 : memref<80x128xf32, #tpu.memory_space<hbm>>) target(%arg8 : memref<80x128xf32, #tpu.memory_space<vmem>>) target_semaphore(%arg11 : memref<!tpu.dma_semaphore, #tpu.memory_space<semaphore_mem>>)
      %mul3A_59 = arith.constant 80 : i32
      %mul3A_60 = arith.muli %mul3A_47, %mul3A_59 : i32
      %add3A_61 = arith.addi %mul3A_3, %mul3A_60 : i32
      %dma_wait3A_62 = arith.constant 0 : i32
      %dma_wait3A_63 = tpu.memref_slice %arg3[%arg0, %add3A_61, %dma_wait3A_62] : memref<2x160000x128xf32, #tpu.memory_space<hbm>> -> memref<1x80x128xf32, #tpu.memory_space<hbm>>
      %dma_wait3A_64 = tpu.memref_squeeze %dma_wait3A_63 : memref<1x80x128xf32, #tpu.memory_space<hbm>> -> memref<80x128xf32, #tpu.memory_space<hbm>>
      %dma_wait3A_65 = arith.constant 0 : i32
      %dma_wait3A_66 = tpu.memref_slice %arg3[%arg0, %add3A_61, %dma_wait3A_65] : memref<2x160000x128xf32, #tpu.memory_space<hbm>> -> memref<1x80x128xf32, #tpu.memory_space<hbm>>
      %dma_wait3A_67 = tpu.memref_squeeze %dma_wait3A_66 : memref<1x80x128xf32, #tpu.memory_space<hbm>> -> memref<80x128xf32, #tpu.memory_space<hbm>>
      tpu.wait_dma2 semaphore(%arg10 : memref<!tpu.dma_semaphore, #tpu.memory_space<semaphore_mem>>) src(%dma_wait3A_67 : memref<80x128xf32, #tpu.memory_space<hbm>>) dst(%arg7 : memref<80x128xf32, #tpu.memory_space<vmem>>)
      "tpu.region"() ({
        %run_scoped3A_92 = tpu.sem_alloc : memref<!tpu.dma_semaphore, #tpu.memory_space<semaphore_mem>>
        %dma_start3A_93 = arith.constant 0 : i32
        %dma_start3A_94 = tpu.memref_slice %arg6[%mul3A_47, %dma_start3A_93] : memref<125x80xi32, #tpu.memory_space<vmem>> -> memref<1x80xi32, #tpu.memory_space<vmem>>
        %dma_start3A_95 = tpu.memref_squeeze %dma_start3A_94 : memref<1x80xi32, #tpu.memory_space<vmem>> -> memref<80xi32, #tpu.memory_space<vmem>>
        %dma_start3A_96 = arith.constant 0 : i32
        %dma_start3A_97 = arith.constant 0 : i32
        %dma_start3A_98 = tpu.memref_slice %arg9[%dma_start3A_96, %dma_start3A_97] : memref<10000x128xf32, #tpu.memory_space<vmem_shared>> -> memref<10000x128xf32, #tpu.memory_space<vmem_shared>>
        tpu.enqueue_indirect_dma source(%arg7 : memref<80x128xf32, #tpu.memory_space<vmem>>) target(%dma_start3A_98 : memref<10000x128xf32, #tpu.memory_space<vmem_shared>>) offsets(%dma_start3A_95 : memref<80xi32, #tpu.memory_space<vmem>>) semaphore(%run_scoped3A_92 : memref<!tpu.dma_semaphore, #tpu.memory_space<semaphore_mem>>) {add = true}
        %dma_wait3A_99 = arith.constant 0 : i32
        %dma_wait3A_100 = tpu.memref_slice %arg6[%mul3A_47, %dma_wait3A_99] : memref<125x80xi32, #tpu.memory_space<vmem>> -> memref<1x80xi32, #tpu.memory_space<vmem>>
        %dma_wait3A_101 = tpu.memref_squeeze %dma_wait3A_100 : memref<1x80xi32, #tpu.memory_space<vmem>> -> memref<80xi32, #tpu.memory_space<vmem>>
        %dma_wait3A_102 = arith.constant 0 : i32
        %dma_wait3A_103 = arith.constant 0 : i32
        %dma_wait3A_104 = tpu.memref_slice %arg9[%dma_wait3A_102, %dma_wait3A_103] : memref<10000x128xf32, #tpu.memory_space<vmem_shared>> -> memref<10000x128xf32, #tpu.memory_space<vmem_shared>>
        tpu.wait_indirect_dma semaphore(%run_scoped3A_92 : memref<!tpu.dma_semaphore, #tpu.memory_space<semaphore_mem>>) src(%arg7 : memref<80x128xf32, #tpu.memory_space<vmem>>) dst(%dma_wait3A_104 : memref<10000x128xf32, #tpu.memory_space<vmem_shared>>)
        tpu.yield
      }) : () -> ()
      %add3A_68 = arith.constant 2 : i32
      %add3A_69 = arith.addi %mul3A_47, %add3A_68 : i32
      %mul3A_70 = arith.constant 80 : i32
      %mul3A_71 = arith.muli %add3A_69, %mul3A_70 : i32
      %add3A_72 = arith.addi %mul3A_3, %mul3A_71 : i32
      %dma_start3A_73 = arith.constant 0 : i32
      %dma_start3A_74 = tpu.memref_slice %arg3[%arg0, %add3A_72, %dma_start3A_73] : memref<2x160000x128xf32, #tpu.memory_space<hbm>> -> memref<1x80x128xf32, #tpu.memory_space<hbm>>
      %dma_start3A_75 = tpu.memref_squeeze %dma_start3A_74 : memref<1x80x128xf32, #tpu.memory_space<hbm>> -> memref<80x128xf32, #tpu.memory_space<hbm>>
      %dma_start3A_76 = arith.constant 0 : i32
      %dma_start3A_77 = tpu.memref_slice %arg3[%arg0, %add3A_72, %dma_start3A_76] : memref<2x160000x128xf32, #tpu.memory_space<hbm>> -> memref<1x80x128xf32, #tpu.memory_space<hbm>>
      %dma_start3A_78 = tpu.memref_squeeze %dma_start3A_77 : memref<1x80x128xf32, #tpu.memory_space<hbm>> -> memref<80x128xf32, #tpu.memory_space<hbm>>
      tpu.enqueue_dma source(%dma_start3A_78 : memref<80x128xf32, #tpu.memory_space<hbm>>) target(%arg7 : memref<80x128xf32, #tpu.memory_space<vmem>>) target_semaphore(%arg10 : memref<!tpu.dma_semaphore, #tpu.memory_space<semaphore_mem>>)
      %add3A_79 = arith.constant 1 : i32
      %add3A_80 = arith.addi %mul3A_47, %add3A_79 : i32
      %mul3A_81 = arith.constant 80 : i32
      %mul3A_82 = arith.muli %add3A_80, %mul3A_81 : i32
      %add3A_83 = arith.addi %mul3A_3, %mul3A_82 : i32
      %dma_wait3A_84 = arith.constant 0 : i32
      %dma_wait3A_85 = tpu.memref_slice %arg3[%arg0, %add3A_83, %dma_wait3A_84] : memref<2x160000x128xf32, #tpu.memory_space<hbm>> -> memref<1x80x128xf32, #tpu.memory_space<hbm>>
      %dma_wait3A_86 = tpu.memref_squeeze %dma_wait3A_85 : memref<1x80x128xf32, #tpu.memory_space<hbm>> -> memref<80x128xf32, #tpu.memory_space<hbm>>
      %dma_wait3A_87 = arith.constant 0 : i32
      %dma_wait3A_88 = tpu.memref_slice %arg3[%arg0, %add3A_83, %dma_wait3A_87] : memref<2x160000x128xf32, #tpu.memory_space<hbm>> -> memref<1x80x128xf32, #tpu.memory_space<hbm>>
      %dma_wait3A_89 = tpu.memref_squeeze %dma_wait3A_88 : memref<1x80x128xf32, #tpu.memory_space<hbm>> -> memref<80x128xf32, #tpu.memory_space<hbm>>
      tpu.wait_dma2 semaphore(%arg11 : memref<!tpu.dma_semaphore, #tpu.memory_space<semaphore_mem>>) src(%dma_wait3A_89 : memref<80x128xf32, #tpu.memory_space<hbm>>) dst(%arg8 : memref<80x128xf32, #tpu.memory_space<vmem>>)
      %add3A_90 = arith.constant 1 : i32
      %add3A_91 = arith.addi %mul3A_47, %add3A_90 : i32
      "tpu.region"() ({
        %run_scoped3A_92 = tpu.sem_alloc : memref<!tpu.dma_semaphore, #tpu.memory_space<semaphore_mem>>
        %dma_start3A_93 = arith.constant 0 : i32
        %dma_start3A_94 = tpu.memref_slice %arg6[%add3A_91, %dma_start3A_93] : memref<125x80xi32, #tpu.memory_space<vmem>> -> memref<1x80xi32, #tpu.memory_space<vmem>>
        %dma_start3A_95 = tpu.memref_squeeze %dma_start3A_94 : memref<1x80xi32, #tpu.memory_space<vmem>> -> memref<80xi32, #tpu.memory_space<vmem>>
        %dma_start3A_96 = arith.constant 0 : i32
        %dma_start3A_97 = arith.constant 0 : i32
        %dma_start3A_98 = tpu.memref_slice %arg9[%dma_start3A_96, %dma_start3A_97] : memref<10000x128xf32, #tpu.memory_space<vmem_shared>> -> memref<10000x128xf32, #tpu.memory_space<vmem_shared>>
        tpu.enqueue_indirect_dma source(%arg8 : memref<80x128xf32, #tpu.memory_space<vmem>>) target(%dma_start3A_98 : memref<10000x128xf32, #tpu.memory_space<vmem_shared>>) offsets(%dma_start3A_95 : memref<80xi32, #tpu.memory_space<vmem>>) semaphore(%run_scoped3A_92 : memref<!tpu.dma_semaphore, #tpu.memory_space<semaphore_mem>>) {add = true}
        %dma_wait3A_99 = arith.constant 0 : i32
        %dma_wait3A_100 = tpu.memref_slice %arg6[%add3A_91, %dma_wait3A_99] : memref<125x80xi32, #tpu.memory_space<vmem>> -> memref<1x80xi32, #tpu.memory_space<vmem>>
        %dma_wait3A_101 = tpu.memref_squeeze %dma_wait3A_100 : memref<1x80xi32, #tpu.memory_space<vmem>> -> memref<80xi32, #tpu.memory_space<vmem>>
        %dma_wait3A_102 = arith.constant 0 : i32
        %dma_wait3A_103 = arith.constant 0 : i32
        %dma_wait3A_104 = tpu.memref_slice %arg9[%dma_wait3A_102, %dma_wait3A_103] : memref<10000x128xf32, #tpu.memory_space<vmem_shared>> -> memref<10000x128xf32, #tpu.memory_space<vmem_shared>>
        tpu.wait_indirect_dma semaphore(%run_scoped3A_92 : memref<!tpu.dma_semaphore, #tpu.memory_space<semaphore_mem>>) src(%arg8 : memref<80x128xf32, #tpu.memory_space<vmem>>) dst(%dma_wait3A_104 : memref<10000x128xf32, #tpu.memory_space<vmem_shared>>)
        tpu.yield
      }) : () -> ()
    }
    %scan3A_14 = arith.constant 62 : i32
    %add3A_15 = arith.constant 9920 : i32
    %add3A_16 = arith.addi %mul3A_3, %add3A_15 : i32
    %dma_wait3A = arith.constant 0 : i32
    %dma_wait3A_17 = tpu.memref_slice %arg3[%arg0, %add3A_16, %dma_wait3A] : memref<2x160000x128xf32, #tpu.memory_space<hbm>> -> memref<1x80x128xf32, #tpu.memory_space<hbm>>
    %dma_wait3A_18 = tpu.memref_squeeze %dma_wait3A_17 : memref<1x80x128xf32, #tpu.memory_space<hbm>> -> memref<80x128xf32, #tpu.memory_space<hbm>>
    %dma_wait3A_19 = arith.constant 0 : i32
    %dma_wait3A_20 = tpu.memref_slice %arg3[%arg0, %add3A_16, %dma_wait3A_19] : memref<2x160000x128xf32, #tpu.memory_space<hbm>> -> memref<1x80x128xf32, #tpu.memory_space<hbm>>
    %dma_wait3A_21 = tpu.memref_squeeze %dma_wait3A_20 : memref<1x80x128xf32, #tpu.memory_space<hbm>> -> memref<80x128xf32, #tpu.memory_space<hbm>>
    tpu.wait_dma2 semaphore(%arg10 : memref<!tpu.dma_semaphore, #tpu.memory_space<semaphore_mem>>) src(%dma_wait3A_21 : memref<80x128xf32, #tpu.memory_space<hbm>>) dst(%arg7 : memref<80x128xf32, #tpu.memory_space<vmem>>)
    %run_scoped3A = arith.constant 124 : i32
    "tpu.region"() ({
      %run_scoped3A_45 = tpu.sem_alloc : memref<!tpu.dma_semaphore, #tpu.memory_space<semaphore_mem>>
      %dma_start3A_46 = arith.constant 0 : i32
      %dma_start3A_47 = tpu.memref_slice %arg6[%run_scoped3A, %dma_start3A_46] : memref<125x80xi32, #tpu.memory_space<vmem>> -> memref<1x80xi32, #tpu.memory_space<vmem>>
      %dma_start3A_48 = tpu.memref_squeeze %dma_start3A_47 : memref<1x80xi32, #tpu.memory_space<vmem>> -> memref<80xi32, #tpu.memory_space<vmem>>
      %dma_start3A_49 = arith.constant 0 : i32
      %dma_start3A_50 = arith.constant 0 : i32
      %dma_start3A_51 = tpu.memref_slice %arg9[%dma_start3A_49, %dma_start3A_50] : memref<10000x128xf32, #tpu.memory_space<vmem_shared>> -> memref<10000x128xf32, #tpu.memory_space<vmem_shared>>
      tpu.enqueue_indirect_dma source(%arg7 : memref<80x128xf32, #tpu.memory_space<vmem>>) target(%dma_start3A_51 : memref<10000x128xf32, #tpu.memory_space<vmem_shared>>) offsets(%dma_start3A_48 : memref<80xi32, #tpu.memory_space<vmem>>) semaphore(%run_scoped3A_45 : memref<!tpu.dma_semaphore, #tpu.memory_space<semaphore_mem>>) {add = true}
      %dma_wait3A_52 = arith.constant 0 : i32
      %dma_wait3A_53 = tpu.memref_slice %arg6[%run_scoped3A, %dma_wait3A_52] : memref<125x80xi32, #tpu.memory_space<vmem>> -> memref<1x80xi32, #tpu.memory_space<vmem>>
      %dma_wait3A_54 = tpu.memref_squeeze %dma_wait3A_53 : memref<1x80xi32, #tpu.memory_space<vmem>> -> memref<80xi32, #tpu.memory_space<vmem>>
      %dma_wait3A_55 = arith.constant 0 : i32
      %dma_wait3A_56 = arith.constant 0 : i32
      %dma_wait3A_57 = tpu.memref_slice %arg9[%dma_wait3A_55, %dma_wait3A_56] : memref<10000x128xf32, #tpu.memory_space<vmem_shared>> -> memref<10000x128xf32, #tpu.memory_space<vmem_shared>>
      tpu.wait_indirect_dma semaphore(%run_scoped3A_45 : memref<!tpu.dma_semaphore, #tpu.memory_space<semaphore_mem>>) src(%arg7 : memref<80x128xf32, #tpu.memory_space<vmem>>) dst(%dma_wait3A_57 : memref<10000x128xf32, #tpu.memory_space<vmem_shared>>)
      tpu.yield
    }) : () -> ()
    %barrier3A_22 = arith.constant 0 : index
    tpu.barrier barrier_id(%barrier3A_22)
    %dma_start3A_23 = arith.constant 0 : i32
    %dma_start3A_24 = arith.constant 0 : i32
    %dma_start3A_25 = tpu.memref_slice %arg6[%dma_start3A_23, %dma_start3A_24] : memref<125x80xi32, #tpu.memory_space<vmem>> -> memref<1x80xi32, #tpu.memory_space<vmem>>
    %dma_start3A_26 = tpu.memref_squeeze %dma_start3A_25 : memref<1x80xi32, #tpu.memory_space<vmem>> -> memref<80xi32, #tpu.memory_space<vmem>>
    %dma_start3A_27 = arith.constant 0 : i32
    %dma_start3A_28 = arith.constant 0 : i32
    %dma_start3A_29 = tpu.memref_slice %arg9[%dma_start3A_27, %dma_start3A_28] : memref<10000x128xf32, #tpu.memory_space<vmem_shared>> -> memref<10000x128xf32, #tpu.memory_space<vmem_shared>>
    tpu.enqueue_indirect_dma source(%dma_start3A_29 : memref<10000x128xf32, #tpu.memory_space<vmem_shared>>) target(%arg7 : memref<80x128xf32, #tpu.memory_space<vmem>>) offsets(%dma_start3A_26 : memref<80xi32, #tpu.memory_space<vmem>>) semaphore(%arg10 : memref<!tpu.dma_semaphore, #tpu.memory_space<semaphore_mem>>)
    %scan3A_30 = arith.constant 0 : i32
    %scan3A_31 = arith.constant 0 : i32
    %scan3A_32 = arith.constant 62 : i32
    %scan3A_33 = arith.addi %scan3A_31, %scan3A_32 : i32
    %scan3A_34 = arith.constant 1 : i32
    scf.for %scan3A_45 = %scan3A_31 to %scan3A_33 step %scan3A_34  : i32 {
      %mul3A_46 = arith.constant 2 : i32
      %mul3A_47 = arith.muli %mul3A_46, %scan3A_45 : i32
      %add3A_48 = arith.constant 1 : i32
      %add3A_49 = arith.addi %mul3A_47, %add3A_48 : i32
      %dma_start3A_50 = arith.constant 0 : i32
      %dma_start3A_51 = tpu.memref_slice %arg6[%add3A_49, %dma_start3A_50] : memref<125x80xi32, #tpu.memory_space<vmem>> -> memref<1x80xi32, #tpu.memory_space<vmem>>
      %dma_start3A_52 = tpu.memref_squeeze %dma_start3A_51 : memref<1x80xi32, #tpu.memory_space<vmem>> -> memref<80xi32, #tpu.memory_space<vmem>>
      %dma_start3A_53 = arith.constant 0 : i32
      %dma_start3A_54 = arith.constant 0 : i32
      %dma_start3A_55 = tpu.memref_slice %arg9[%dma_start3A_53, %dma_start3A_54] : memref<10000x128xf32, #tpu.memory_space<vmem_shared>> -> memref<10000x128xf32, #tpu.memory_space<vmem_shared>>
      tpu.enqueue_indirect_dma source(%dma_start3A_55 : memref<10000x128xf32, #tpu.memory_space<vmem_shared>>) target(%arg8 : memref<80x128xf32, #tpu.memory_space<vmem>>) offsets(%dma_start3A_52 : memref<80xi32, #tpu.memory_space<vmem>>) semaphore(%arg11 : memref<!tpu.dma_semaphore, #tpu.memory_space<semaphore_mem>>)
      %dma_wait3A_56 = arith.constant 0 : i32
      %dma_wait3A_57 = tpu.memref_slice %arg6[%mul3A_47, %dma_wait3A_56] : memref<125x80xi32, #tpu.memory_space<vmem>> -> memref<1x80xi32, #tpu.memory_space<vmem>>
      %dma_wait3A_58 = tpu.memref_squeeze %dma_wait3A_57 : memref<1x80xi32, #tpu.memory_space<vmem>> -> memref<80xi32, #tpu.memory_space<vmem>>
      %dma_wait3A_59 = arith.constant 0 : i32
      %dma_wait3A_60 = arith.constant 0 : i32
      %dma_wait3A_61 = tpu.memref_slice %arg9[%dma_wait3A_59, %dma_wait3A_60] : memref<10000x128xf32, #tpu.memory_space<vmem_shared>> -> memref<10000x128xf32, #tpu.memory_space<vmem_shared>>
      tpu.wait_indirect_dma semaphore(%arg10 : memref<!tpu.dma_semaphore, #tpu.memory_space<semaphore_mem>>) src(%dma_wait3A_61 : memref<10000x128xf32, #tpu.memory_space<vmem_shared>>) dst(%arg7 : memref<80x128xf32, #tpu.memory_space<vmem>>)
      %mul3A_62 = arith.constant 80 : i32
      %mul3A_63 = arith.muli %mul3A_47, %mul3A_62 : i32
      %add3A_64 = arith.addi %mul3A_3, %mul3A_63 : i32
      "tpu.region"() ({
        %run_scoped3A_86 = tpu.sem_alloc : memref<!tpu.dma_semaphore, #tpu.memory_space<semaphore_mem>>
        %dma_start3A_87 = arith.constant 0 : i32
        %dma_start3A_88 = tpu.memref_slice %arg5[%arg0, %add3A_64, %dma_start3A_87] : memref<2x160000x128xf32, #tpu.memory_space<hbm>> -> memref<1x80x128xf32, #tpu.memory_space<hbm>>
        %dma_start3A_89 = tpu.memref_squeeze %dma_start3A_88 : memref<1x80x128xf32, #tpu.memory_space<hbm>> -> memref<80x128xf32, #tpu.memory_space<hbm>>
        %dma_start3A_90 = arith.constant 0 : i32
        %dma_start3A_91 = tpu.memref_slice %arg5[%arg0, %add3A_64, %dma_start3A_90] : memref<2x160000x128xf32, #tpu.memory_space<hbm>> -> memref<1x80x128xf32, #tpu.memory_space<hbm>>
        %dma_start3A_92 = tpu.memref_squeeze %dma_start3A_91 : memref<1x80x128xf32, #tpu.memory_space<hbm>> -> memref<80x128xf32, #tpu.memory_space<hbm>>
        tpu.enqueue_dma source(%arg7 : memref<80x128xf32, #tpu.memory_space<vmem>>) target(%dma_start3A_92 : memref<80x128xf32, #tpu.memory_space<hbm>>) target_semaphore(%run_scoped3A_86 : memref<!tpu.dma_semaphore, #tpu.memory_space<semaphore_mem>>)
        %dma_wait3A_93 = arith.constant 0 : i32
        %dma_wait3A_94 = tpu.memref_slice %arg5[%arg0, %add3A_64, %dma_wait3A_93] : memref<2x160000x128xf32, #tpu.memory_space<hbm>> -> memref<1x80x128xf32, #tpu.memory_space<hbm>>
        %dma_wait3A_95 = tpu.memref_squeeze %dma_wait3A_94 : memref<1x80x128xf32, #tpu.memory_space<hbm>> -> memref<80x128xf32, #tpu.memory_space<hbm>>
        %dma_wait3A_96 = arith.constant 0 : i32
        %dma_wait3A_97 = tpu.memref_slice %arg5[%arg0, %add3A_64, %dma_wait3A_96] : memref<2x160000x128xf32, #tpu.memory_space<hbm>> -> memref<1x80x128xf32, #tpu.memory_space<hbm>>
        %dma_wait3A_98 = tpu.memref_squeeze %dma_wait3A_97 : memref<1x80x128xf32, #tpu.memory_space<hbm>> -> memref<80x128xf32, #tpu.memory_space<hbm>>
        tpu.wait_dma2 semaphore(%run_scoped3A_86 : memref<!tpu.dma_semaphore, #tpu.memory_space<semaphore_mem>>) src(%arg7 : memref<80x128xf32, #tpu.memory_space<vmem>>) dst(%dma_wait3A_98 : memref<80x128xf32, #tpu.memory_space<hbm>>)
        tpu.yield
      }) : () -> ()
      %add3A_65 = arith.constant 2 : i32
      %add3A_66 = arith.addi %mul3A_47, %add3A_65 : i32
      %dma_start3A_67 = arith.constant 0 : i32
      %dma_start3A_68 = tpu.memref_slice %arg6[%add3A_66, %dma_start3A_67] : memref<125x80xi32, #tpu.memory_space<vmem>> -> memref<1x80xi32, #tpu.memory_space<vmem>>
      %dma_start3A_69 = tpu.memref_squeeze %dma_start3A_68 : memref<1x80xi32, #tpu.memory_space<vmem>> -> memref<80xi32, #tpu.memory_space<vmem>>
      %dma_start3A_70 = arith.constant 0 : i32
      %dma_start3A_71 = arith.constant 0 : i32
      %dma_start3A_72 = tpu.memref_slice %arg9[%dma_start3A_70, %dma_start3A_71] : memref<10000x128xf32, #tpu.memory_space<vmem_shared>> -> memref<10000x128xf32, #tpu.memory_space<vmem_shared>>
      tpu.enqueue_indirect_dma source(%dma_start3A_72 : memref<10000x128xf32, #tpu.memory_space<vmem_shared>>) target(%arg7 : memref<80x128xf32, #tpu.memory_space<vmem>>) offsets(%dma_start3A_69 : memref<80xi32, #tpu.memory_space<vmem>>) semaphore(%arg10 : memref<!tpu.dma_semaphore, #tpu.memory_space<semaphore_mem>>)
      %add3A_73 = arith.constant 1 : i32
      %add3A_74 = arith.addi %mul3A_47, %add3A_73 : i32
      %dma_wait3A_75 = arith.constant 0 : i32
      %dma_wait3A_76 = tpu.memref_slice %arg6[%add3A_74, %dma_wait3A_75] : memref<125x80xi32, #tpu.memory_space<vmem>> -> memref<1x80xi32, #tpu.memory_space<vmem>>
      %dma_wait3A_77 = tpu.memref_squeeze %dma_wait3A_76 : memref<1x80xi32, #tpu.memory_space<vmem>> -> memref<80xi32, #tpu.memory_space<vmem>>
      %dma_wait3A_78 = arith.constant 0 : i32
      %dma_wait3A_79 = arith.constant 0 : i32
      %dma_wait3A_80 = tpu.memref_slice %arg9[%dma_wait3A_78, %dma_wait3A_79] : memref<10000x128xf32, #tpu.memory_space<vmem_shared>> -> memref<10000x128xf32, #tpu.memory_space<vmem_shared>>
      tpu.wait_indirect_dma semaphore(%arg11 : memref<!tpu.dma_semaphore, #tpu.memory_space<semaphore_mem>>) src(%dma_wait3A_80 : memref<10000x128xf32, #tpu.memory_space<vmem_shared>>) dst(%arg8 : memref<80x128xf32, #tpu.memory_space<vmem>>)
      %add3A_81 = arith.constant 1 : i32
      %add3A_82 = arith.addi %mul3A_47, %add3A_81 : i32
      %mul3A_83 = arith.constant 80 : i32
      %mul3A_84 = arith.muli %add3A_82, %mul3A_83 : i32
      %add3A_85 = arith.addi %mul3A_3, %mul3A_84 : i32
      "tpu.region"() ({
        %run_scoped3A_86 = tpu.sem_alloc : memref<!tpu.dma_semaphore, #tpu.memory_space<semaphore_mem>>
        %dma_start3A_87 = arith.constant 0 : i32
        %dma_start3A_88 = tpu.memref_slice %arg5[%arg0, %add3A_85, %dma_start3A_87] : memref<2x160000x128xf32, #tpu.memory_space<hbm>> -> memref<1x80x128xf32, #tpu.memory_space<hbm>>
        %dma_start3A_89 = tpu.memref_squeeze %dma_start3A_88 : memref<1x80x128xf32, #tpu.memory_space<hbm>> -> memref<80x128xf32, #tpu.memory_space<hbm>>
        %dma_start3A_90 = arith.constant 0 : i32
        %dma_start3A_91 = tpu.memref_slice %arg5[%arg0, %add3A_85, %dma_start3A_90] : memref<2x160000x128xf32, #tpu.memory_space<hbm>> -> memref<1x80x128xf32, #tpu.memory_space<hbm>>
        %dma_start3A_92 = tpu.memref_squeeze %dma_start3A_91 : memref<1x80x128xf32, #tpu.memory_space<hbm>> -> memref<80x128xf32, #tpu.memory_space<hbm>>
        tpu.enqueue_dma source(%arg8 : memref<80x128xf32, #tpu.memory_space<vmem>>) target(%dma_start3A_92 : memref<80x128xf32, #tpu.memory_space<hbm>>) target_semaphore(%run_scoped3A_86 : memref<!tpu.dma_semaphore, #tpu.memory_space<semaphore_mem>>)
        %dma_wait3A_93 = arith.constant 0 : i32
        %dma_wait3A_94 = tpu.memref_slice %arg5[%arg0, %add3A_85, %dma_wait3A_93] : memref<2x160000x128xf32, #tpu.memory_space<hbm>> -> memref<1x80x128xf32, #tpu.memory_space<hbm>>
        %dma_wait3A_95 = tpu.memref_squeeze %dma_wait3A_94 : memref<1x80x128xf32, #tpu.memory_space<hbm>> -> memref<80x128xf32, #tpu.memory_space<hbm>>
        %dma_wait3A_96 = arith.constant 0 : i32
        %dma_wait3A_97 = tpu.memref_slice %arg5[%arg0, %add3A_85, %dma_wait3A_96] : memref<2x160000x128xf32, #tpu.memory_space<hbm>> -> memref<1x80x128xf32, #tpu.memory_space<hbm>>
        %dma_wait3A_98 = tpu.memref_squeeze %dma_wait3A_97 : memref<1x80x128xf32, #tpu.memory_space<hbm>> -> memref<80x128xf32, #tpu.memory_space<hbm>>
        tpu.wait_dma2 semaphore(%run_scoped3A_86 : memref<!tpu.dma_semaphore, #tpu.memory_space<semaphore_mem>>) src(%arg8 : memref<80x128xf32, #tpu.memory_space<vmem>>) dst(%dma_wait3A_98 : memref<80x128xf32, #tpu.memory_space<hbm>>)
        tpu.yield
      }) : () -> ()
    }
    %scan3A_35 = arith.constant 62 : i32
    %dma_wait3A_36 = arith.constant 124 : i32
    %dma_wait3A_37 = arith.constant 0 : i32
    %dma_wait3A_38 = tpu.memref_slice %arg6[%dma_wait3A_36, %dma_wait3A_37] : memref<125x80xi32, #tpu.memory_space<vmem>> -> memref<1x80xi32, #tpu.memory_space<vmem>>
    %dma_wait3A_39 = tpu.memref_squeeze %dma_wait3A_38 : memref<1x80xi32, #tpu.memory_space<vmem>> -> memref<80xi32, #tpu.memory_space<vmem>>
    %dma_wait3A_40 = arith.constant 0 : i32
    %dma_wait3A_41 = arith.constant 0 : i32
    %dma_wait3A_42 = tpu.memref_slice %arg9[%dma_wait3A_40, %dma_wait3A_41] : memref<10000x128xf32, #tpu.memory_space<vmem_shared>> -> memref<10000x128xf32, #tpu.memory_space<vmem_shared>>
    tpu.wait_indirect_dma semaphore(%arg10 : memref<!tpu.dma_semaphore, #tpu.memory_space<semaphore_mem>>) src(%dma_wait3A_42 : memref<10000x128xf32, #tpu.memory_space<vmem_shared>>) dst(%arg7 : memref<80x128xf32, #tpu.memory_space<vmem>>)
    %add3A_43 = arith.constant 9920 : i32
    %add3A_44 = arith.addi %mul3A_3, %add3A_43 : i32
    "tpu.region"() ({
      %run_scoped3A_45 = tpu.sem_alloc : memref<!tpu.dma_semaphore, #tpu.memory_space<semaphore_mem>>
      %dma_start3A_46 = arith.constant 0 : i32
      %dma_start3A_47 = tpu.memref_slice %arg5[%arg0, %add3A_44, %dma_start3A_46] : memref<2x160000x128xf32, #tpu.memory_space<hbm>> -> memref<1x80x128xf32, #tpu.memory_space<hbm>>
      %dma_start3A_48 = tpu.memref_squeeze %dma_start3A_47 : memref<1x80x128xf32, #tpu.memory_space<hbm>> -> memref<80x128xf32, #tpu.memory_space<hbm>>
      %dma_start3A_49 = arith.constant 0 : i32
      %dma_start3A_50 = tpu.memref_slice %arg5[%arg0, %add3A_44, %dma_start3A_49] : memref<2x160000x128xf32, #tpu.memory_space<hbm>> -> memref<1x80x128xf32, #tpu.memory_space<hbm>>
      %dma_start3A_51 = tpu.memref_squeeze %dma_start3A_50 : memref<1x80x128xf32, #tpu.memory_space<hbm>> -> memref<80x128xf32, #tpu.memory_space<hbm>>
      tpu.enqueue_dma source(%arg7 : memref<80x128xf32, #tpu.memory_space<vmem>>) target(%dma_start3A_51 : memref<80x128xf32, #tpu.memory_space<hbm>>) target_semaphore(%run_scoped3A_45 : memref<!tpu.dma_semaphore, #tpu.memory_space<semaphore_mem>>)
      %dma_wait3A_52 = arith.constant 0 : i32
      %dma_wait3A_53 = tpu.memref_slice %arg5[%arg0, %add3A_44, %dma_wait3A_52] : memref<2x160000x128xf32, #tpu.memory_space<hbm>> -> memref<1x80x128xf32, #tpu.memory_space<hbm>>
      %dma_wait3A_54 = tpu.memref_squeeze %dma_wait3A_53 : memref<1x80x128xf32, #tpu.memory_space<hbm>> -> memref<80x128xf32, #tpu.memory_space<hbm>>
      %dma_wait3A_55 = arith.constant 0 : i32
      %dma_wait3A_56 = tpu.memref_slice %arg5[%arg0, %add3A_44, %dma_wait3A_55] : memref<2x160000x128xf32, #tpu.memory_space<hbm>> -> memref<1x80x128xf32, #tpu.memory_space<hbm>>
      %dma_wait3A_57 = tpu.memref_squeeze %dma_wait3A_56 : memref<1x80x128xf32, #tpu.memory_space<hbm>> -> memref<80x128xf32, #tpu.memory_space<hbm>>
      tpu.wait_dma2 semaphore(%run_scoped3A_45 : memref<!tpu.dma_semaphore, #tpu.memory_space<semaphore_mem>>) src(%arg7 : memref<80x128xf32, #tpu.memory_space<vmem>>) dst(%dma_wait3A_57 : memref<80x128xf32, #tpu.memory_space<hbm>>)
      tpu.yield
    }) : () -> ()
    return
  }
}

module attributes {stable_mosaic.version = 14 : i64} {
  func.func @_wy_body(%arg0: i32, %arg1: memref<4000x3xf32, #tpu.memory_space<vmem>>, %arg2: memref<4000x64xf32, #tpu.memory_space<vmem>>, %arg3: memref<64x16xf32, #tpu.memory_space<vmem>>, %arg4: memref<10x16xf32, #tpu.memory_space<vmem>>, %arg5: memref<16x256xf32, #tpu.memory_space<vmem>>, %arg6: memref<16x256xf32, #tpu.memory_space<vmem>>, %arg7: memref<2x4000x128xf32, #tpu.memory_space<vmem>>) attributes {dimension_semantics = [#tpu.dimension_semantics<arbitrary>], iteration_bounds = array<i64: 40>, scalar_prefetch = 0 : i64, scratch_operands = 0 : i64, tpu.core_type = #tpu.core_type<tc>, window_params = [{transform_indices = @transform_0, window_bounds = array<i64: 4000, 3>}, {transform_indices = @transform_1, window_bounds = array<i64: 4000, 64>}, {pipeline_mode = #tpu.pipeline_mode<synchronous>, transform_indices = @transform_2, window_bounds = array<i64: 64, 16>}, {pipeline_mode = #tpu.pipeline_mode<synchronous>, transform_indices = @transform_3, window_bounds = array<i64: 10, 16>}, {pipeline_mode = #tpu.pipeline_mode<synchronous>, transform_indices = @transform_4, window_bounds = array<i64: 16, 256>}, {pipeline_mode = #tpu.pipeline_mode<synchronous>, transform_indices = @transform_5, window_bounds = array<i64: 16, 256>}, {transform_indices = @transform_6, window_bounds = array<i64: 2, 4000, 128>}]} {
    %get3A = arith.constant 0 : index
    %get3A_0 = arith.constant 0 : index
    %get3A_1 = vector.load %arg1[%get3A, %get3A_0] : memref<4000x3xf32, #tpu.memory_space<vmem>>, vector<4000x3xf32>
    %slice3A = vector.extract_strided_slice %get3A_1 {offsets = [0, 0], sizes = [4000, 1], strides = [1, 1]} : vector<4000x3xf32> to vector<4000x1xf32>
    %broadcast_in_dim3A = vector.shape_cast %slice3A : vector<4000x1xf32> to vector<4000x1xf32>
    %broadcast_in_dim3A_2 = vector.broadcast %broadcast_in_dim3A : vector<4000x1xf32> to vector<4000x16xf32>
    %slice3A_3 = vector.extract_strided_slice %get3A_1 {offsets = [0, 1], sizes = [4000, 1], strides = [1, 1]} : vector<4000x3xf32> to vector<4000x1xf32>
    %broadcast_in_dim3A_4 = vector.shape_cast %slice3A_3 : vector<4000x1xf32> to vector<4000x1xf32>
    %broadcast_in_dim3A_5 = vector.broadcast %broadcast_in_dim3A_4 : vector<4000x1xf32> to vector<4000x16xf32>
    %slice3A_6 = vector.extract_strided_slice %get3A_1 {offsets = [0, 2], sizes = [4000, 1], strides = [1, 1]} : vector<4000x3xf32> to vector<4000x1xf32>
    %broadcast_in_dim3A_7 = vector.shape_cast %slice3A_6 : vector<4000x1xf32> to vector<4000x1xf32>
    %broadcast_in_dim3A_8 = vector.broadcast %broadcast_in_dim3A_7 : vector<4000x1xf32> to vector<4000x16xf32>
    %mul3A = arith.mulf %broadcast_in_dim3A_2, %broadcast_in_dim3A_2 : vector<4000x16xf32>
    %mul3A_9 = arith.mulf %broadcast_in_dim3A_5, %broadcast_in_dim3A_5 : vector<4000x16xf32>
    %add3A = arith.addf %mul3A, %mul3A_9 : vector<4000x16xf32>
    %mul3A_10 = arith.mulf %broadcast_in_dim3A_8, %broadcast_in_dim3A_8 : vector<4000x16xf32>
    %add3A_11 = arith.addf %add3A, %mul3A_10 : vector<4000x16xf32>
    %sqrt3A = math.sqrt %add3A_11 : vector<4000x16xf32>
    %add3A_12 = arith.constant 9.99999971E-10 : f32
    %add3A_13 = vector.broadcast %add3A_12 : f32 to vector<4000x16xf32>
    %add3A_14 = arith.addf %sqrt3A, %add3A_13 : vector<4000x16xf32>
    %div3A = arith.constant 1.000000e+00 : f32
    %div3A_15 = vector.broadcast %div3A : f32 to vector<4000x16xf32>
    %div3A_16 = arith.divf %div3A_15, %add3A_14 : vector<4000x16xf32>
    %mul3A_17 = arith.mulf %broadcast_in_dim3A_2, %div3A_16 : vector<4000x16xf32>
    %mul3A_18 = arith.mulf %broadcast_in_dim3A_5, %div3A_16 : vector<4000x16xf32>
    %mul3A_19 = arith.mulf %broadcast_in_dim3A_8, %div3A_16 : vector<4000x16xf32>
    %get3A_20 = arith.constant 0 : index
    %get3A_21 = arith.constant 0 : index
    %get3A_22 = vector.load %arg4[%get3A_20, %get3A_21] : memref<10x16xf32, #tpu.memory_space<vmem>>, vector<10x16xf32>
    %mul3A_23 = arith.mulf %mul3A_17, %mul3A_18 : vector<4000x16xf32>
    %mul3A_24 = arith.mulf %mul3A_18, %mul3A_19 : vector<4000x16xf32>
    %mul3A_25 = arith.mulf %mul3A_19, %mul3A_19 : vector<4000x16xf32>
    %mul3A_26 = arith.mulf %mul3A_17, %mul3A_19 : vector<4000x16xf32>
    %mul3A_27 = arith.mulf %mul3A_17, %mul3A_17 : vector<4000x16xf32>
    %mul3A_28 = arith.mulf %mul3A_18, %mul3A_18 : vector<4000x16xf32>
    %slice3A_29 = vector.extract_strided_slice %get3A_22 {offsets = [0, 0], sizes = [1, 16], strides = [1, 1]} : vector<10x16xf32> to vector<1x16xf32>
    %broadcast_in_dim3A_30 = vector.shape_cast %slice3A_29 : vector<1x16xf32> to vector<1x16xf32>
    %broadcast_in_dim3A_31 = vector.broadcast %broadcast_in_dim3A_30 : vector<1x16xf32> to vector<4000x16xf32>
    %slice3A_32 = vector.extract_strided_slice %get3A_22 {offsets = [1, 0], sizes = [1, 16], strides = [1, 1]} : vector<10x16xf32> to vector<1x16xf32>
    %mul3A_33 = vector.broadcast %slice3A_32 : vector<1x16xf32> to vector<4000x16xf32>
    %mul3A_34 = arith.mulf %mul3A_17, %mul3A_33 : vector<4000x16xf32>
    %add3A_35 = arith.addf %broadcast_in_dim3A_31, %mul3A_34 : vector<4000x16xf32>
    %slice3A_36 = vector.extract_strided_slice %get3A_22 {offsets = [2, 0], sizes = [1, 16], strides = [1, 1]} : vector<10x16xf32> to vector<1x16xf32>
    %mul3A_37 = vector.broadcast %slice3A_36 : vector<1x16xf32> to vector<4000x16xf32>
    %mul3A_38 = arith.mulf %mul3A_18, %mul3A_37 : vector<4000x16xf32>
    %add3A_39 = arith.addf %add3A_35, %mul3A_38 : vector<4000x16xf32>
    %slice3A_40 = vector.extract_strided_slice %get3A_22 {offsets = [3, 0], sizes = [1, 16], strides = [1, 1]} : vector<10x16xf32> to vector<1x16xf32>
    %mul3A_41 = vector.broadcast %slice3A_40 : vector<1x16xf32> to vector<4000x16xf32>
    %mul3A_42 = arith.mulf %mul3A_19, %mul3A_41 : vector<4000x16xf32>
    %add3A_43 = arith.addf %add3A_39, %mul3A_42 : vector<4000x16xf32>
    %slice3A_44 = vector.extract_strided_slice %get3A_22 {offsets = [4, 0], sizes = [1, 16], strides = [1, 1]} : vector<10x16xf32> to vector<1x16xf32>
    %mul3A_45 = vector.broadcast %slice3A_44 : vector<1x16xf32> to vector<4000x16xf32>
    %mul3A_46 = arith.mulf %mul3A_23, %mul3A_45 : vector<4000x16xf32>
    %add3A_47 = arith.addf %add3A_43, %mul3A_46 : vector<4000x16xf32>
    %slice3A_48 = vector.extract_strided_slice %get3A_22 {offsets = [5, 0], sizes = [1, 16], strides = [1, 1]} : vector<10x16xf32> to vector<1x16xf32>
    %mul3A_49 = vector.broadcast %slice3A_48 : vector<1x16xf32> to vector<4000x16xf32>
    %mul3A_50 = arith.mulf %mul3A_24, %mul3A_49 : vector<4000x16xf32>
    %add3A_51 = arith.addf %add3A_47, %mul3A_50 : vector<4000x16xf32>
    %slice3A_52 = vector.extract_strided_slice %get3A_22 {offsets = [6, 0], sizes = [1, 16], strides = [1, 1]} : vector<10x16xf32> to vector<1x16xf32>
    %mul3A_53 = vector.broadcast %slice3A_52 : vector<1x16xf32> to vector<4000x16xf32>
    %mul3A_54 = arith.mulf %mul3A_25, %mul3A_53 : vector<4000x16xf32>
    %add3A_55 = arith.addf %add3A_51, %mul3A_54 : vector<4000x16xf32>
    %slice3A_56 = vector.extract_strided_slice %get3A_22 {offsets = [7, 0], sizes = [1, 16], strides = [1, 1]} : vector<10x16xf32> to vector<1x16xf32>
    %mul3A_57 = vector.broadcast %slice3A_56 : vector<1x16xf32> to vector<4000x16xf32>
    %mul3A_58 = arith.mulf %mul3A_26, %mul3A_57 : vector<4000x16xf32>
    %add3A_59 = arith.addf %add3A_55, %mul3A_58 : vector<4000x16xf32>
    %slice3A_60 = vector.extract_strided_slice %get3A_22 {offsets = [8, 0], sizes = [1, 16], strides = [1, 1]} : vector<10x16xf32> to vector<1x16xf32>
    %mul3A_61 = vector.broadcast %slice3A_60 : vector<1x16xf32> to vector<4000x16xf32>
    %mul3A_62 = arith.mulf %mul3A_27, %mul3A_61 : vector<4000x16xf32>
    %add3A_63 = arith.addf %add3A_59, %mul3A_62 : vector<4000x16xf32>
    %slice3A_64 = vector.extract_strided_slice %get3A_22 {offsets = [9, 0], sizes = [1, 16], strides = [1, 1]} : vector<10x16xf32> to vector<1x16xf32>
    %mul3A_65 = vector.broadcast %slice3A_64 : vector<1x16xf32> to vector<4000x16xf32>
    %mul3A_66 = arith.mulf %mul3A_28, %mul3A_65 : vector<4000x16xf32>
    %add3A_67 = arith.addf %add3A_63, %mul3A_66 : vector<4000x16xf32>
    %get3A_68 = arith.constant 0 : index
    %get3A_69 = arith.constant 0 : index
    %get3A_70 = vector.load %arg2[%get3A_68, %get3A_69] : memref<4000x64xf32, #tpu.memory_space<vmem>>, vector<4000x64xf32>
    %get3A_71 = arith.constant 0 : index
    %get3A_72 = arith.constant 0 : index
    %get3A_73 = vector.load %arg3[%get3A_71, %get3A_72] : memref<64x16xf32, #tpu.memory_space<vmem>>, vector<64x16xf32>
    %dot_general3A = arith.constant dense<0.000000e+00> : vector<4000x16xf32>
    %dot_general3A_74 = tpu.matmul %get3A_70, %get3A_73, %dot_general3A {dimension_numbers = #tpu.dot_dimension_numbers<[1], [0], [0], [1], [0, 0, 1, 1], [], []>, transpose_lhs_hint = false} : vector<4000x64xf32>, vector<64x16xf32>, vector<4000x16xf32> -> vector<4000x16xf32>
    %div3A_75 = arith.constant 8.000000e+00 : f32
    %div3A_76 = vector.broadcast %div3A_75 : f32 to vector<4000x16xf32>
    %div3A_77 = arith.divf %dot_general3A_74, %div3A_76 : vector<4000x16xf32>
    %logistic3A = arith.negf %div3A_77 : vector<4000x16xf32>
    %logistic3A_78 = math.exp %logistic3A : vector<4000x16xf32>
    %logistic3A_79 = arith.constant 1.000000e+00 : f32
    %logistic3A_80 = vector.broadcast %logistic3A_79 : f32 to vector<4000x16xf32>
    %logistic3A_81 = arith.addf %logistic3A_80, %logistic3A_78 : vector<4000x16xf32>
    %logistic3A_82 = arith.divf %logistic3A_80, %logistic3A_81 : vector<4000x16xf32>
    %mul3A_83 = arith.mulf %div3A_77, %logistic3A_82 : vector<4000x16xf32>
    %get3A_84 = arith.constant 0 : index
    %get3A_85 = arith.constant 0 : index
    %get3A_86 = vector.load %arg5[%get3A_84, %get3A_85] : memref<16x256xf32, #tpu.memory_space<vmem>>, vector<16x256xf32>
    %dot_general3A_87 = arith.constant dense<0.000000e+00> : vector<4000x256xf32>
    %dot_general3A_88 = tpu.matmul %add3A_67, %get3A_86, %dot_general3A_87 {dimension_numbers = #tpu.dot_dimension_numbers<[1], [0], [0], [1], [0, 0, 1, 1], [], []>, precision = #tpu.contract_precision<fp32>, transpose_lhs_hint = false} : vector<4000x16xf32>, vector<16x256xf32>, vector<4000x256xf32> -> vector<4000x256xf32>
    %get3A_89 = arith.constant 0 : index
    %get3A_90 = arith.constant 0 : index
    %get3A_91 = vector.load %arg6[%get3A_89, %get3A_90] : memref<16x256xf32, #tpu.memory_space<vmem>>, vector<16x256xf32>
    %dot_general3A_92 = arith.constant dense<0.000000e+00> : vector<4000x256xf32>
    %dot_general3A_93 = tpu.matmul %mul3A_83, %get3A_91, %dot_general3A_92 {dimension_numbers = #tpu.dot_dimension_numbers<[1], [0], [0], [1], [0, 0, 1, 1], [], []>, precision = #tpu.contract_precision<fp32>, transpose_lhs_hint = false} : vector<4000x16xf32>, vector<16x256xf32>, vector<4000x256xf32> -> vector<4000x256xf32>
    %mul3A_94 = arith.mulf %dot_general3A_88, %dot_general3A_93 : vector<4000x256xf32>
    %slice3A_95 = vector.extract_strided_slice %mul3A_94 {offsets = [0, 0], sizes = [4000, 128], strides = [1, 1]} : vector<4000x256xf32> to vector<4000x128xf32>
    %swap3A = arith.constant 0 : index
    %swap3A_96 = arith.constant 0 : index
    %swap3A_97 = arith.constant 0 : index
    %swap3A_98 = vector.load %arg7[%swap3A, %swap3A_96, %swap3A_97] : memref<2x4000x128xf32, #tpu.memory_space<vmem>>, vector<1x4000x128xf32>
    %swap3A_99 = vector.shape_cast %swap3A_98 : vector<1x4000x128xf32> to vector<4000x128xf32>
    %swap3A_100 = vector.shape_cast %slice3A_95 : vector<4000x128xf32> to vector<1x4000x128xf32>
    tpu.vector_store %arg7[%swap3A, %swap3A_96, %swap3A_97], %swap3A_100 {strides = array<i32>} : memref<2x4000x128xf32, #tpu.memory_space<vmem>>, vector<1x4000x128xf32>,
    %slice3A_101 = vector.extract_strided_slice %mul3A_94 {offsets = [0, 128], sizes = [4000, 128], strides = [1, 1]} : vector<4000x256xf32> to vector<4000x128xf32>
    %swap3A_102 = arith.constant 1 : index
    %swap3A_103 = arith.constant 0 : index
    %swap3A_104 = arith.constant 0 : index
    %swap3A_105 = vector.load %arg7[%swap3A_102, %swap3A_103, %swap3A_104] : memref<2x4000x128xf32, #tpu.memory_space<vmem>>, vector<1x4000x128xf32>
    %swap3A_106 = vector.shape_cast %swap3A_105 : vector<1x4000x128xf32> to vector<4000x128xf32>
    %swap3A_107 = vector.shape_cast %slice3A_101 : vector<4000x128xf32> to vector<1x4000x128xf32>
    tpu.vector_store %arg7[%swap3A_102, %swap3A_103, %swap3A_104], %swap3A_107 {strides = array<i32>} : memref<2x4000x128xf32, #tpu.memory_space<vmem>>, vector<1x4000x128xf32>,
    return
  }
  func.func @transform_0(%arg0: i32) -> (i32, i32) {
    %c0_i32 = arith.constant 0 : i32
    %c0_i32_0 = arith.constant 0 : i32
    return %arg0, %c0_i32 : i32, i32
  }
  func.func @transform_1(%arg0: i32) -> (i32, i32) {
    %c0_i32 = arith.constant 0 : i32
    %c0_i32_0 = arith.constant 0 : i32
    return %arg0, %c0_i32 : i32, i32
  }
  func.func @transform_2(%arg0: i32) -> (i32, i32) {
    %c0_i32 = arith.constant 0 : i32
    %c0_i32_0 = arith.constant 0 : i32
    %c0_i32_1 = arith.constant 0 : i32
    return %c0_i32, %c0_i32_0 : i32, i32
  }
  func.func @transform_3(%arg0: i32) -> (i32, i32) {
    %c0_i32 = arith.constant 0 : i32
    %c0_i32_0 = arith.constant 0 : i32
    %c0_i32_1 = arith.constant 0 : i32
    return %c0_i32, %c0_i32_0 : i32, i32
  }
  func.func @transform_4(%arg0: i32) -> (i32, i32) {
    %c0_i32 = arith.constant 0 : i32
    %c0_i32_0 = arith.constant 0 : i32
    %c0_i32_1 = arith.constant 0 : i32
    return %c0_i32, %c0_i32_0 : i32, i32
  }
  func.func @transform_5(%arg0: i32) -> (i32, i32) {
    %c0_i32 = arith.constant 0 : i32
    %c0_i32_0 = arith.constant 0 : i32
    %c0_i32_1 = arith.constant 0 : i32
    return %c0_i32, %c0_i32_0 : i32, i32
  }
  func.func @transform_6(%arg0: i32) -> (i32, i32, i32) {
    %c0_i32 = arith.constant 0 : i32
    %c0_i32_0 = arith.constant 0 : i32
    %c0_i32_1 = arith.constant 0 : i32
    return %c0_i32, %arg0, %c0_i32_0 : i32, i32, i32
  }
}

module attributes {stable_mosaic.version = 14 : i64} {
  func.func @_tail_body(%arg0: i32, %arg1: memref<1600x3xf32, #tpu.memory_space<vmem>>, %arg2: memref<1600x64xf32, #tpu.memory_space<vmem>>, %arg3: memref<1600x144xf32, #tpu.memory_space<vmem>>, %arg4: memref<2x1600x128xf32, #tpu.memory_space<vmem>>, %arg5: memref<112x64xf32, #tpu.memory_space<vmem>>, %arg6: memref<64x64xf32, #tpu.memory_space<vmem>>, %arg7: memref<64x64xf32, #tpu.memory_space<vmem>>, %arg8: memref<144x144xf32, #tpu.memory_space<vmem>>, %arg9: memref<16x144xf32, #tpu.memory_space<vmem>>, %arg10: memref<16x128xf32, #tpu.memory_space<vmem>>, %arg11: memref<144x144xf32, #tpu.memory_space<vmem>>, %arg12: memref<128x144xf32, #tpu.memory_space<vmem>>, %arg13: memref<48x144xf32, #tpu.memory_space<vmem>>, %arg14: memref<48x144xf32, #tpu.memory_space<vmem>>, %arg15: memref<32x144xf32, #tpu.memory_space<vmem>>, %arg16: memref<1600x64xf32, #tpu.memory_space<vmem>>, %arg17: memref<1600x144xf32, #tpu.memory_space<vmem>>) attributes {dimension_semantics = [#tpu.dimension_semantics<arbitrary>], iteration_bounds = array<i64: 100>, scalar_prefetch = 0 : i64, scratch_operands = 0 : i64, tpu.core_type = #tpu.core_type<tc>, window_params = [{transform_indices = @transform_0, window_bounds = array<i64: 1600, 3>}, {transform_indices = @transform_1, window_bounds = array<i64: 1600, 64>}, {transform_indices = @transform_2, window_bounds = array<i64: 1600, 144>}, {transform_indices = @transform_3, window_bounds = array<i64: 2, 1600, 128>}, {pipeline_mode = #tpu.pipeline_mode<synchronous>, transform_indices = @transform_4, window_bounds = array<i64: 112, 64>}, {pipeline_mode = #tpu.pipeline_mode<synchronous>, transform_indices = @transform_5, window_bounds = array<i64: 64, 64>}, {pipeline_mode = #tpu.pipeline_mode<synchronous>, transform_indices = @transform_6, window_bounds = array<i64: 64, 64>}, {pipeline_mode = #tpu.pipeline_mode<synchronous>, transform_indices = @transform_7, window_bounds = array<i64: 144, 144>}, {pipeline_mode = #tpu.pipeline_mode<synchronous>, transform_indices = @transform_8, window_bounds = array<i64: 16, 144>}, {pipeline_mode = #tpu.pipeline_mode<synchronous>, transform_indices = @transform_9, window_bounds = array<i64: 16, 128>}, {pipeline_mode = #tpu.pipeline_mode<synchronous>, transform_indices = @transform_10, window_bounds = array<i64: 144, 144>}, {pipeline_mode = #tpu.pipeline_mode<synchronous>, transform_indices = @transform_11, window_bounds = array<i64: 128, 144>}, {pipeline_mode = #tpu.pipeline_mode<synchronous>, transform_indices = @transform_12, window_bounds = array<i64: 48, 144>}, {pipeline_mode = #tpu.pipeline_mode<synchronous>, transform_indices = @transform_13, window_bounds = array<i64: 48, 144>}, {pipeline_mode = #tpu.pipeline_mode<synchronous>, transform_indices = @transform_14, window_bounds = array<i64: 32, 144>}, {transform_indices = @transform_15, window_bounds = array<i64: 1600, 64>}, {transform_indices = @transform_16, window_bounds = array<i64: 1600, 144>}]} {
    %sqrt3A = arith.constant 1.600000e+01 : f32
    %sqrt3A_0 = math.sqrt %sqrt3A : f32
    %div3A = arith.constant 1.000000e+00 : f32
    %div3A_1 = arith.divf %div3A, %sqrt3A_0 : f32
    %get3A = arith.constant 0 : index
    %get3A_2 = arith.constant 0 : index
    %get3A_3 = arith.constant 0 : index
    %get3A_4 = vector.load %arg4[%get3A, %get3A_2, %get3A_3] : memref<2x1600x128xf32, #tpu.memory_space<vmem>>, vector<1x1600x128xf32>
    %get3A_5 = vector.shape_cast %get3A_4 : vector<1x1600x128xf32> to vector<1600x128xf32>
    %get3A_6 = arith.constant 1 : index
    %get3A_7 = arith.constant 0 : index
    %get3A_8 = arith.constant 0 : index
    %get3A_9 = vector.load %arg4[%get3A_6, %get3A_7, %get3A_8] : memref<2x1600x128xf32, #tpu.memory_space<vmem>>, vector<1x1600x128xf32>
    %get3A_10 = vector.shape_cast %get3A_9 : vector<1x1600x128xf32> to vector<1600x128xf32>
    %slice3A = vector.extract_strided_slice %get3A_10 {offsets = [0, 0], sizes = [1600, 16], strides = [1, 1]} : vector<1600x128xf32> to vector<1600x16xf32>
    %concatenate3A = tpu.concatenate %get3A_5, %slice3A in 1 : vector<1600x128xf32>, vector<1600x16xf32> -> vector<1600x144xf32>
    %mul3A = vector.broadcast %div3A_1 : f32 to vector<1600x144xf32>
    %mul3A_11 = arith.mulf %concatenate3A, %mul3A : vector<1600x144xf32>
    %get3A_12 = arith.constant 0 : index
    %get3A_13 = arith.constant 0 : index
    %get3A_14 = vector.load %arg3[%get3A_12, %get3A_13] : memref<1600x144xf32, #tpu.memory_space<vmem>>, vector<1600x144xf32>
    %get3A_15 = arith.constant 0 : index
    %get3A_16 = arith.constant 0 : index
    %get3A_17 = vector.load %arg8[%get3A_15, %get3A_16] : memref<144x144xf32, #tpu.memory_space<vmem>>, vector<144x144xf32>
    %dot_general3A = arith.constant dense<0.000000e+00> : vector<1600x144xf32>
    %dot_general3A_18 = tpu.matmul %get3A_14, %get3A_17, %dot_general3A {dimension_numbers = #tpu.dot_dimension_numbers<[1], [0], [0], [1], [0, 0, 1, 1], [], []>, precision = #tpu.contract_precision<fp32>, transpose_lhs_hint = false} : vector<1600x144xf32>, vector<144x144xf32>, vector<1600x144xf32> -> vector<1600x144xf32>
    %mul3A_19 = arith.mulf %mul3A_11, %dot_general3A_18 : vector<1600x144xf32>
    %slice3A_20 = vector.extract_strided_slice %mul3A_11 {offsets = [0, 0], sizes = [1600, 16], strides = [1, 1]} : vector<1600x144xf32> to vector<1600x16xf32>
    %get3A_21 = arith.constant 0 : index
    %get3A_22 = arith.constant 0 : index
    %get3A_23 = vector.load %arg9[%get3A_21, %get3A_22] : memref<16x144xf32, #tpu.memory_space<vmem>>, vector<16x144xf32>
    %dot_general3A_24 = arith.constant dense<0.000000e+00> : vector<1600x144xf32>
    %dot_general3A_25 = tpu.matmul %slice3A_20, %get3A_23, %dot_general3A_24 {dimension_numbers = #tpu.dot_dimension_numbers<[1], [0], [0], [1], [0, 0, 1, 1], [], []>, precision = #tpu.contract_precision<fp32>, transpose_lhs_hint = false} : vector<1600x16xf32>, vector<16x144xf32>, vector<1600x144xf32> -> vector<1600x144xf32>
    %mul3A_26 = arith.mulf %dot_general3A_25, %dot_general3A_18 : vector<1600x144xf32>
    %slice3A_27 = vector.extract_strided_slice %dot_general3A_18 {offsets = [0, 0], sizes = [1600, 16], strides = [1, 1]} : vector<1600x144xf32> to vector<1600x16xf32>
    %get3A_28 = arith.constant 0 : index
    %get3A_29 = arith.constant 0 : index
    %get3A_30 = vector.load %arg10[%get3A_28, %get3A_29] : memref<16x128xf32, #tpu.memory_space<vmem>>, vector<16x128xf32>
    %dot_general3A_31 = arith.constant dense<0.000000e+00> : vector<1600x128xf32>
    %dot_general3A_32 = tpu.matmul %slice3A_27, %get3A_30, %dot_general3A_31 {dimension_numbers = #tpu.dot_dimension_numbers<[1], [0], [0], [1], [0, 0, 1, 1], [], []>, precision = #tpu.contract_precision<fp32>, transpose_lhs_hint = false} : vector<1600x16xf32>, vector<16x128xf32>, vector<1600x128xf32> -> vector<1600x128xf32>
    %slice3A_33 = vector.extract_strided_slice %mul3A_11 {offsets = [0, 16], sizes = [1600, 128], strides = [1, 1]} : vector<1600x144xf32> to vector<1600x128xf32>
    %mul3A_34 = arith.mulf %slice3A_33, %dot_general3A_32 : vector<1600x128xf32>
    %slice3A_35 = vector.extract_strided_slice %mul3A_11 {offsets = [0, 32], sizes = [1600, 16], strides = [1, 1]} : vector<1600x144xf32> to vector<1600x16xf32>
    %slice3A_36 = vector.extract_strided_slice %mul3A_11 {offsets = [0, 48], sizes = [1600, 16], strides = [1, 1]} : vector<1600x144xf32> to vector<1600x16xf32>
    %slice3A_37 = vector.extract_strided_slice %mul3A_11 {offsets = [0, 16], sizes = [1600, 16], strides = [1, 1]} : vector<1600x144xf32> to vector<1600x16xf32>
    %concatenate3A_38 = tpu.concatenate %slice3A_35, %slice3A_36, %slice3A_37 in 1 : vector<1600x16xf32>, vector<1600x16xf32>, vector<1600x16xf32> -> vector<1600x48xf32>
    %slice3A_39 = vector.extract_strided_slice %dot_general3A_18 {offsets = [0, 48], sizes = [1600, 16], strides = [1, 1]} : vector<1600x144xf32> to vector<1600x16xf32>
    %slice3A_40 = vector.extract_strided_slice %dot_general3A_18 {offsets = [0, 16], sizes = [1600, 16], strides = [1, 1]} : vector<1600x144xf32> to vector<1600x16xf32>
    %slice3A_41 = vector.extract_strided_slice %dot_general3A_18 {offsets = [0, 32], sizes = [1600, 16], strides = [1, 1]} : vector<1600x144xf32> to vector<1600x16xf32>
    %concatenate3A_42 = tpu.concatenate %slice3A_39, %slice3A_40, %slice3A_41 in 1 : vector<1600x16xf32>, vector<1600x16xf32>, vector<1600x16xf32> -> vector<1600x48xf32>
    %mul3A_43 = arith.mulf %concatenate3A_38, %concatenate3A_42 : vector<1600x48xf32>
    %slice3A_44 = vector.extract_strided_slice %mul3A_11 {offsets = [0, 48], sizes = [1600, 16], strides = [1, 1]} : vector<1600x144xf32> to vector<1600x16xf32>
    %slice3A_45 = vector.extract_strided_slice %mul3A_11 {offsets = [0, 16], sizes = [1600, 16], strides = [1, 1]} : vector<1600x144xf32> to vector<1600x16xf32>
    %slice3A_46 = vector.extract_strided_slice %mul3A_11 {offsets = [0, 32], sizes = [1600, 16], strides = [1, 1]} : vector<1600x144xf32> to vector<1600x16xf32>
    %concatenate3A_47 = tpu.concatenate %slice3A_44, %slice3A_45, %slice3A_46 in 1 : vector<1600x16xf32>, vector<1600x16xf32>, vector<1600x16xf32> -> vector<1600x48xf32>
    %slice3A_48 = vector.extract_strided_slice %dot_general3A_18 {offsets = [0, 32], sizes = [1600, 16], strides = [1, 1]} : vector<1600x144xf32> to vector<1600x16xf32>
    %slice3A_49 = vector.extract_strided_slice %dot_general3A_18 {offsets = [0, 48], sizes = [1600, 16], strides = [1, 1]} : vector<1600x144xf32> to vector<1600x16xf32>
    %slice3A_50 = vector.extract_strided_slice %dot_general3A_18 {offsets = [0, 16], sizes = [1600, 16], strides = [1, 1]} : vector<1600x144xf32> to vector<1600x16xf32>
    %concatenate3A_51 = tpu.concatenate %slice3A_48, %slice3A_49, %slice3A_50 in 1 : vector<1600x16xf32>, vector<1600x16xf32>, vector<1600x16xf32> -> vector<1600x48xf32>
    %mul3A_52 = arith.mulf %concatenate3A_47, %concatenate3A_51 : vector<1600x48xf32>
    %sqrt3A_53 = arith.constant 2.000000e+00 : f32
    %sqrt3A_54 = math.sqrt %sqrt3A_53 : f32
    %div3A_55 = arith.constant 1.000000e+00 : f32
    %div3A_56 = arith.divf %div3A_55, %sqrt3A_54 : f32
    %sub3A = arith.subf %mul3A_43, %mul3A_52 : vector<1600x48xf32>
    %mul3A_57 = vector.broadcast %div3A_56 : f32 to vector<1600x48xf32>
    %mul3A_58 = arith.mulf %sub3A, %mul3A_57 : vector<1600x48xf32>
    %add3A = arith.addf %mul3A_43, %mul3A_52 : vector<1600x48xf32>
    %mul3A_59 = vector.broadcast %div3A_56 : f32 to vector<1600x48xf32>
    %mul3A_60 = arith.mulf %add3A, %mul3A_59 : vector<1600x48xf32>
    %slice3A_61 = vector.extract_strided_slice %mul3A_19 {offsets = [0, 48], sizes = [1600, 16], strides = [1, 1]} : vector<1600x144xf32> to vector<1600x16xf32>
    %mul3A_62 = arith.constant 2.000000e+00 : f32
    %mul3A_63 = vector.broadcast %mul3A_62 : f32 to vector<1600x16xf32>
    %mul3A_64 = arith.mulf %mul3A_63, %slice3A_61 : vector<1600x16xf32>
    %slice3A_65 = vector.extract_strided_slice %mul3A_19 {offsets = [0, 16], sizes = [1600, 16], strides = [1, 1]} : vector<1600x144xf32> to vector<1600x16xf32>
    %sub3A_66 = arith.subf %mul3A_64, %slice3A_65 : vector<1600x16xf32>
    %slice3A_67 = vector.extract_strided_slice %mul3A_19 {offsets = [0, 32], sizes = [1600, 16], strides = [1, 1]} : vector<1600x144xf32> to vector<1600x16xf32>
    %sub3A_68 = arith.subf %sub3A_66, %slice3A_67 : vector<1600x16xf32>
    %sqrt3A_69 = arith.constant 3.000000e+00 : f32
    %sqrt3A_70 = math.sqrt %sqrt3A_69 : f32
    %div3A_71 = arith.divf %div3A_56, %sqrt3A_70 : f32
    %mul3A_72 = vector.broadcast %div3A_71 : f32 to vector<1600x16xf32>
    %mul3A_73 = arith.mulf %sub3A_68, %mul3A_72 : vector<1600x16xf32>
    %slice3A_74 = vector.extract_strided_slice %mul3A_19 {offsets = [0, 16], sizes = [1600, 16], strides = [1, 1]} : vector<1600x144xf32> to vector<1600x16xf32>
    %slice3A_75 = vector.extract_strided_slice %mul3A_19 {offsets = [0, 32], sizes = [1600, 16], strides = [1, 1]} : vector<1600x144xf32> to vector<1600x16xf32>
    %sub3A_76 = arith.subf %slice3A_74, %slice3A_75 : vector<1600x16xf32>
    %mul3A_77 = vector.broadcast %div3A_56 : f32 to vector<1600x16xf32>
    %mul3A_78 = arith.mulf %sub3A_76, %mul3A_77 : vector<1600x16xf32>
    %concatenate3A_79 = tpu.concatenate %mul3A_73, %mul3A_78 in 1 : vector<1600x16xf32>, vector<1600x16xf32> -> vector<1600x32xf32>
    %slice3A_80 = vector.extract_strided_slice %mul3A_19 {offsets = [0, 0], sizes = [1600, 16], strides = [1, 1]} : vector<1600x144xf32> to vector<1600x16xf32>
    %slice3A_81 = vector.extract_strided_slice %mul3A_19 {offsets = [0, 16], sizes = [1600, 16], strides = [1, 1]} : vector<1600x144xf32> to vector<1600x16xf32>
    %slice3A_82 = vector.extract_strided_slice %mul3A_19 {offsets = [0, 32], sizes = [1600, 16], strides = [1, 1]} : vector<1600x144xf32> to vector<1600x16xf32>
    %add3A_83 = arith.addf %slice3A_81, %slice3A_82 : vector<1600x16xf32>
    %slice3A_84 = vector.extract_strided_slice %mul3A_19 {offsets = [0, 48], sizes = [1600, 16], strides = [1, 1]} : vector<1600x144xf32> to vector<1600x16xf32>
    %add3A_85 = arith.addf %add3A_83, %slice3A_84 : vector<1600x16xf32>
    %sqrt3A_86 = arith.constant 3.000000e+00 : f32
    %sqrt3A_87 = math.sqrt %sqrt3A_86 : f32
    %div3A_88 = vector.broadcast %sqrt3A_87 : f32 to vector<1600x16xf32>
    %div3A_89 = arith.divf %add3A_85, %div3A_88 : vector<1600x16xf32>
    %slice3A_90 = vector.extract_strided_slice %mul3A_19 {offsets = [0, 64], sizes = [1600, 16], strides = [1, 1]} : vector<1600x144xf32> to vector<1600x16xf32>
    %slice3A_91 = vector.extract_strided_slice %mul3A_19 {offsets = [0, 80], sizes = [1600, 16], strides = [1, 1]} : vector<1600x144xf32> to vector<1600x16xf32>
    %add3A_92 = arith.addf %slice3A_90, %slice3A_91 : vector<1600x16xf32>
    %slice3A_93 = vector.extract_strided_slice %mul3A_19 {offsets = [0, 96], sizes = [1600, 16], strides = [1, 1]} : vector<1600x144xf32> to vector<1600x16xf32>
    %add3A_94 = arith.addf %add3A_92, %slice3A_93 : vector<1600x16xf32>
    %slice3A_95 = vector.extract_strided_slice %mul3A_19 {offsets = [0, 112], sizes = [1600, 16], strides = [1, 1]} : vector<1600x144xf32> to vector<1600x16xf32>
    %add3A_96 = arith.addf %add3A_94, %slice3A_95 : vector<1600x16xf32>
    %slice3A_97 = vector.extract_strided_slice %mul3A_19 {offsets = [0, 128], sizes = [1600, 16], strides = [1, 1]} : vector<1600x144xf32> to vector<1600x16xf32>
    %add3A_98 = arith.addf %add3A_96, %slice3A_97 : vector<1600x16xf32>
    %sqrt3A_99 = arith.constant 5.000000e+00 : f32
    %sqrt3A_100 = math.sqrt %sqrt3A_99 : f32
    %div3A_101 = vector.broadcast %sqrt3A_100 : f32 to vector<1600x16xf32>
    %div3A_102 = arith.divf %add3A_98, %div3A_101 : vector<1600x16xf32>
    %get3A_103 = arith.constant 0 : index
    %get3A_104 = arith.constant 0 : index
    %get3A_105 = vector.load %arg2[%get3A_103, %get3A_104] : memref<1600x64xf32, #tpu.memory_space<vmem>>, vector<1600x64xf32>
    %concatenate3A_106 = tpu.concatenate %get3A_105, %slice3A_80, %div3A_89, %div3A_102 in 1 : vector<1600x64xf32>, vector<1600x16xf32>, vector<1600x16xf32>, vector<1600x16xf32> -> vector<1600x112xf32>
    %get3A_107 = arith.constant 0 : index
    %get3A_108 = arith.constant 0 : index
    %get3A_109 = vector.load %arg5[%get3A_107, %get3A_108] : memref<112x64xf32, #tpu.memory_space<vmem>>, vector<112x64xf32>
    %dot_general3A_110 = arith.constant dense<0.000000e+00> : vector<1600x64xf32>
    %dot_general3A_111 = tpu.matmul %concatenate3A_106, %get3A_109, %dot_general3A_110 {dimension_numbers = #tpu.dot_dimension_numbers<[1], [0], [0], [1], [0, 0, 1, 1], [], []>, transpose_lhs_hint = false} : vector<1600x112xf32>, vector<112x64xf32>, vector<1600x64xf32> -> vector<1600x64xf32>
    %sqrt3A_112 = arith.constant 1.120000e+02 : f32
    %sqrt3A_113 = math.sqrt %sqrt3A_112 : f32
    %div3A_114 = vector.broadcast %sqrt3A_113 : f32 to vector<1600x64xf32>
    %div3A_115 = arith.divf %dot_general3A_111, %div3A_114 : vector<1600x64xf32>
    %logistic3A = arith.negf %div3A_115 : vector<1600x64xf32>
    %logistic3A_116 = math.exp %logistic3A : vector<1600x64xf32>
    %logistic3A_117 = arith.constant 1.000000e+00 : f32
    %logistic3A_118 = vector.broadcast %logistic3A_117 : f32 to vector<1600x64xf32>
    %logistic3A_119 = arith.addf %logistic3A_118, %logistic3A_116 : vector<1600x64xf32>
    %logistic3A_120 = arith.divf %logistic3A_118, %logistic3A_119 : vector<1600x64xf32>
    %mul3A_121 = arith.mulf %div3A_115, %logistic3A_120 : vector<1600x64xf32>
    %get3A_122 = arith.constant 0 : index
    %get3A_123 = arith.constant 0 : index
    %get3A_124 = vector.load %arg6[%get3A_122, %get3A_123] : memref<64x64xf32, #tpu.memory_space<vmem>>, vector<64x64xf32>
    %dot_general3A_125 = arith.constant dense<0.000000e+00> : vector<1600x64xf32>
    %dot_general3A_126 = tpu.matmul %mul3A_121, %get3A_124, %dot_general3A_125 {dimension_numbers = #tpu.dot_dimension_numbers<[1], [0], [0], [1], [0, 0, 1, 1], [], []>, transpose_lhs_hint = false} : vector<1600x64xf32>, vector<64x64xf32>, vector<1600x64xf32> -> vector<1600x64xf32>
    %div3A_127 = arith.constant 8.000000e+00 : f32
    %div3A_128 = vector.broadcast %div3A_127 : f32 to vector<1600x64xf32>
    %div3A_129 = arith.divf %dot_general3A_126, %div3A_128 : vector<1600x64xf32>
    %logistic3A_130 = arith.negf %div3A_129 : vector<1600x64xf32>
    %logistic3A_131 = math.exp %logistic3A_130 : vector<1600x64xf32>
    %logistic3A_132 = arith.constant 1.000000e+00 : f32
    %logistic3A_133 = vector.broadcast %logistic3A_132 : f32 to vector<1600x64xf32>
    %logistic3A_134 = arith.addf %logistic3A_133, %logistic3A_131 : vector<1600x64xf32>
    %logistic3A_135 = arith.divf %logistic3A_133, %logistic3A_134 : vector<1600x64xf32>
    %mul3A_136 = arith.mulf %div3A_129, %logistic3A_135 : vector<1600x64xf32>
    %get3A_137 = arith.constant 0 : index
    %get3A_138 = arith.constant 0 : index
    %get3A_139 = vector.load %arg7[%get3A_137, %get3A_138] : memref<64x64xf32, #tpu.memory_space<vmem>>, vector<64x64xf32>
    %dot_general3A_140 = arith.constant dense<0.000000e+00> : vector<1600x64xf32>
    %dot_general3A_141 = tpu.matmul %mul3A_136, %get3A_139, %dot_general3A_140 {dimension_numbers = #tpu.dot_dimension_numbers<[1], [0], [0], [1], [0, 0, 1, 1], [], []>, transpose_lhs_hint = false} : vector<1600x64xf32>, vector<64x64xf32>, vector<1600x64xf32> -> vector<1600x64xf32>
    %div3A_142 = arith.constant 8.000000e+00 : f32
    %div3A_143 = vector.broadcast %div3A_142 : f32 to vector<1600x64xf32>
    %div3A_144 = arith.divf %dot_general3A_141, %div3A_143 : vector<1600x64xf32>
    %get3A_145 = arith.constant 0 : index
    %get3A_146 = arith.constant 0 : index
    %get3A_147 = vector.load %arg1[%get3A_145, %get3A_146] : memref<1600x3xf32, #tpu.memory_space<vmem>>, vector<1600x3xf32>
    %slice3A_148 = vector.extract_strided_slice %get3A_147 {offsets = [0, 0], sizes = [1600, 1], strides = [1, 1]} : vector<1600x3xf32> to vector<1600x1xf32>
    %integer_pow3A = arith.mulf %slice3A_148, %slice3A_148 : vector<1600x1xf32>
    %slice3A_149 = vector.extract_strided_slice %get3A_147 {offsets = [0, 1], sizes = [1600, 1], strides = [1, 1]} : vector<1600x3xf32> to vector<1600x1xf32>
    %integer_pow3A_150 = arith.mulf %slice3A_149, %slice3A_149 : vector<1600x1xf32>
    %add3A_151 = arith.addf %integer_pow3A, %integer_pow3A_150 : vector<1600x1xf32>
    %slice3A_152 = vector.extract_strided_slice %get3A_147 {offsets = [0, 2], sizes = [1600, 1], strides = [1, 1]} : vector<1600x3xf32> to vector<1600x1xf32>
    %integer_pow3A_153 = arith.mulf %slice3A_152, %slice3A_152 : vector<1600x1xf32>
    %add3A_154 = arith.addf %add3A_151, %integer_pow3A_153 : vector<1600x1xf32>
    %sqrt3A_155 = math.sqrt %add3A_154 : vector<1600x1xf32>
    %div3A_156 = arith.constant 5.000000e+00 : f32
    %div3A_157 = vector.broadcast %div3A_156 : f32 to vector<1600x1xf32>
    %div3A_158 = arith.divf %sqrt3A_155, %div3A_157 : vector<1600x1xf32>
    %mul3A_159 = arith.mulf %div3A_158, %div3A_158 : vector<1600x1xf32>
    %mul3A_160 = arith.mulf %mul3A_159, %mul3A_159 : vector<1600x1xf32>
    %mul3A_161 = arith.mulf %mul3A_160, %mul3A_159 : vector<1600x1xf32>
    %mul3A_162 = arith.mulf %mul3A_161, %div3A_158 : vector<1600x1xf32>
    %mul3A_163 = arith.mulf %mul3A_162, %div3A_158 : vector<1600x1xf32>
    %lt3A = arith.constant 1.000000e+00 : f32
    %lt3A_164 = vector.broadcast %lt3A : f32 to vector<1600x1xf32>
    %lt3A_165 = arith.cmpf olt, %div3A_158, %lt3A_164 : vector<1600x1xf32>
    %mul3A_166 = arith.constant 2.800000e+01 : f32
    %mul3A_167 = vector.broadcast %mul3A_166 : f32 to vector<1600x1xf32>
    %mul3A_168 = arith.mulf %mul3A_167, %mul3A_161 : vector<1600x1xf32>
    %sub3A_169 = arith.constant 1.000000e+00 : f32
    %sub3A_170 = vector.broadcast %sub3A_169 : f32 to vector<1600x1xf32>
    %sub3A_171 = arith.subf %sub3A_170, %mul3A_168 : vector<1600x1xf32>
    %mul3A_172 = arith.constant 4.800000e+01 : f32
    %mul3A_173 = vector.broadcast %mul3A_172 : f32 to vector<1600x1xf32>
    %mul3A_174 = arith.mulf %mul3A_173, %mul3A_162 : vector<1600x1xf32>
    %add3A_175 = arith.addf %sub3A_171, %mul3A_174 : vector<1600x1xf32>
    %mul3A_176 = arith.constant 2.100000e+01 : f32
    %mul3A_177 = vector.broadcast %mul3A_176 : f32 to vector<1600x1xf32>
    %mul3A_178 = arith.mulf %mul3A_177, %mul3A_163 : vector<1600x1xf32>
    %sub3A_179 = arith.subf %add3A_175, %mul3A_178 : vector<1600x1xf32>
    %jit3A = arith.constant 0.000000e+00 : f32
    %broadcast_in_dim3A = vector.broadcast %jit3A : f32 to vector<1600x1xf32>
    %select_n3A = arith.select %lt3A_165, %sub3A_179, %broadcast_in_dim3A : vector<1600x1xi1>, vector<1600x1xf32>
    %mul3A_180 = vector.broadcast %select_n3A : vector<1600x1xf32> to vector<1600x64xf32>
    %mul3A_181 = arith.mulf %mul3A_180, %div3A_144 : vector<1600x64xf32>
    %swap3A = arith.constant 0 : index
    %swap3A_182 = arith.constant 0 : index
    %swap3A_183 = vector.load %arg16[%swap3A, %swap3A_182] : memref<1600x64xf32, #tpu.memory_space<vmem>>, vector<1600x64xf32>
    tpu.vector_store %arg16[%swap3A, %swap3A_182], %mul3A_181 {strides = array<i32>} : memref<1600x64xf32, #tpu.memory_space<vmem>>, vector<1600x64xf32>,
    %get3A_184 = arith.constant 0 : index
    %get3A_185 = arith.constant 0 : index
    %get3A_186 = vector.load %arg11[%get3A_184, %get3A_185] : memref<144x144xf32, #tpu.memory_space<vmem>>, vector<144x144xf32>
    %dot_general3A_187 = arith.constant dense<0.000000e+00> : vector<1600x144xf32>
    %dot_general3A_188 = tpu.matmul %mul3A_26, %get3A_186, %dot_general3A_187 {dimension_numbers = #tpu.dot_dimension_numbers<[1], [0], [0], [1], [0, 0, 1, 1], [], []>, transpose_lhs_hint = false} : vector<1600x144xf32>, vector<144x144xf32>, vector<1600x144xf32> -> vector<1600x144xf32>
    %get3A_189 = arith.constant 0 : index
    %get3A_190 = arith.constant 0 : index
    %get3A_191 = vector.load %arg12[%get3A_189, %get3A_190] : memref<128x144xf32, #tpu.memory_space<vmem>>, vector<128x144xf32>
    %dot_general3A_192 = arith.constant dense<0.000000e+00> : vector<1600x144xf32>
    %dot_general3A_193 = tpu.matmul %mul3A_34, %get3A_191, %dot_general3A_192 {dimension_numbers = #tpu.dot_dimension_numbers<[1], [0], [0], [1], [0, 0, 1, 1], [], []>, transpose_lhs_hint = false} : vector<1600x128xf32>, vector<128x144xf32>, vector<1600x144xf32> -> vector<1600x144xf32>
    %add3A_194 = arith.addf %dot_general3A_188, %dot_general3A_193 : vector<1600x144xf32>
    %get3A_195 = arith.constant 0 : index
    %get3A_196 = arith.constant 0 : index
    %get3A_197 = vector.load %arg13[%get3A_195, %get3A_196] : memref<48x144xf32, #tpu.memory_space<vmem>>, vector<48x144xf32>
    %dot_general3A_198 = arith.constant dense<0.000000e+00> : vector<1600x144xf32>
    %dot_general3A_199 = tpu.matmul %mul3A_58, %get3A_197, %dot_general3A_198 {dimension_numbers = #tpu.dot_dimension_numbers<[1], [0], [0], [1], [0, 0, 1, 1], [], []>, transpose_lhs_hint = false} : vector<1600x48xf32>, vector<48x144xf32>, vector<1600x144xf32> -> vector<1600x144xf32>
    %add3A_200 = arith.addf %add3A_194, %dot_general3A_199 : vector<1600x144xf32>
    %get3A_201 = arith.constant 0 : index
    %get3A_202 = arith.constant 0 : index
    %get3A_203 = vector.load %arg14[%get3A_201, %get3A_202] : memref<48x144xf32, #tpu.memory_space<vmem>>, vector<48x144xf32>
    %dot_general3A_204 = arith.constant dense<0.000000e+00> : vector<1600x144xf32>
    %dot_general3A_205 = tpu.matmul %mul3A_60, %get3A_203, %dot_general3A_204 {dimension_numbers = #tpu.dot_dimension_numbers<[1], [0], [0], [1], [0, 0, 1, 1], [], []>, transpose_lhs_hint = false} : vector<1600x48xf32>, vector<48x144xf32>, vector<1600x144xf32> -> vector<1600x144xf32>
    %add3A_206 = arith.addf %add3A_200, %dot_general3A_205 : vector<1600x144xf32>
    %get3A_207 = arith.constant 0 : index
    %get3A_208 = arith.constant 0 : index
    %get3A_209 = vector.load %arg15[%get3A_207, %get3A_208] : memref<32x144xf32, #tpu.memory_space<vmem>>, vector<32x144xf32>
    %dot_general3A_210 = arith.constant dense<0.000000e+00> : vector<1600x144xf32>
    %dot_general3A_211 = tpu.matmul %concatenate3A_79, %get3A_209, %dot_general3A_210 {dimension_numbers = #tpu.dot_dimension_numbers<[1], [0], [0], [1], [0, 0, 1, 1], [], []>, transpose_lhs_hint = false} : vector<1600x32xf32>, vector<32x144xf32>, vector<1600x144xf32> -> vector<1600x144xf32>
    %add3A_212 = arith.addf %add3A_206, %dot_general3A_211 : vector<1600x144xf32>
    %mul3A_213 = arith.constant 0.144337565 : f32
    %mul3A_214 = vector.broadcast %mul3A_213 : f32 to vector<1600x144xf32>
    %mul3A_215 = arith.mulf %add3A_212, %mul3A_214 : vector<1600x144xf32>
    %swap3A_216 = arith.constant 0 : index
    %swap3A_217 = arith.constant 0 : index
    %swap3A_218 = vector.load %arg17[%swap3A_216, %swap3A_217] : memref<1600x144xf32, #tpu.memory_space<vmem>>, vector<1600x144xf32>
    tpu.vector_store %arg17[%swap3A_216, %swap3A_217], %mul3A_215 {strides = array<i32>} : memref<1600x144xf32, #tpu.memory_space<vmem>>, vector<1600x144xf32>,
    return
  }
  func.func @transform_0(%arg0: i32) -> (i32, i32) {
    %c0_i32 = arith.constant 0 : i32
    %c0_i32_0 = arith.constant 0 : i32
    return %arg0, %c0_i32 : i32, i32
  }
  func.func @transform_1(%arg0: i32) -> (i32, i32) {
    %c0_i32 = arith.constant 0 : i32
    %c0_i32_0 = arith.constant 0 : i32
    return %arg0, %c0_i32 : i32, i32
  }
  func.func @transform_2(%arg0: i32) -> (i32, i32) {
    %c0_i32 = arith.constant 0 : i32
    %c0_i32_0 = arith.constant 0 : i32
    return %arg0, %c0_i32 : i32, i32
  }
  func.func @transform_3(%arg0: i32) -> (i32, i32, i32) {
    %c0_i32 = arith.constant 0 : i32
    %c0_i32_0 = arith.constant 0 : i32
    %c0_i32_1 = arith.constant 0 : i32
    return %c0_i32, %arg0, %c0_i32_0 : i32, i32, i32
  }
  func.func @transform_4(%arg0: i32) -> (i32, i32) {
    %c0_i32 = arith.constant 0 : i32
    %c0_i32_0 = arith.constant 0 : i32
    %c0_i32_1 = arith.constant 0 : i32
    return %c0_i32, %c0_i32_0 : i32, i32
  }
  func.func @transform_5(%arg0: i32) -> (i32, i32) {
    %c0_i32 = arith.constant 0 : i32
    %c0_i32_0 = arith.constant 0 : i32
    %c0_i32_1 = arith.constant 0 : i32
    return %c0_i32, %c0_i32_0 : i32, i32
  }
  func.func @transform_6(%arg0: i32) -> (i32, i32) {
    %c0_i32 = arith.constant 0 : i32
    %c0_i32_0 = arith.constant 0 : i32
    %c0_i32_1 = arith.constant 0 : i32
    return %c0_i32, %c0_i32_0 : i32, i32
  }
  func.func @transform_7(%arg0: i32) -> (i32, i32) {
    %c0_i32 = arith.constant 0 : i32
    %c0_i32_0 = arith.constant 0 : i32
    %c0_i32_1 = arith.constant 0 : i32
    return %c0_i32, %c0_i32_0 : i32, i32
  }
  func.func @transform_8(%arg0: i32) -> (i32, i32) {
    %c0_i32 = arith.constant 0 : i32
    %c0_i32_0 = arith.constant 0 : i32
    %c0_i32_1 = arith.constant 0 : i32
    return %c0_i32, %c0_i32_0 : i32, i32
  }
  func.func @transform_9(%arg0: i32) -> (i32, i32) {
    %c0_i32 = arith.constant 0 : i32
    %c0_i32_0 = arith.constant 0 : i32
    %c0_i32_1 = arith.constant 0 : i32
    return %c0_i32, %c0_i32_0 : i32, i32
  }
  func.func @transform_10(%arg0: i32) -> (i32, i32) {
    %c0_i32 = arith.constant 0 : i32
    %c0_i32_0 = arith.constant 0 : i32
    %c0_i32_1 = arith.constant 0 : i32
    return %c0_i32, %c0_i32_0 : i32, i32
  }
  func.func @transform_11(%arg0: i32) -> (i32, i32) {
    %c0_i32 = arith.constant 0 : i32
    %c0_i32_0 = arith.constant 0 : i32
    %c0_i32_1 = arith.constant 0 : i32
    return %c0_i32, %c0_i32_0 : i32, i32
  }
  func.func @transform_12(%arg0: i32) -> (i32, i32) {
    %c0_i32 = arith.constant 0 : i32
    %c0_i32_0 = arith.constant 0 : i32
    %c0_i32_1 = arith.constant 0 : i32
    return %c0_i32, %c0_i32_0 : i32, i32
  }
  func.func @transform_13(%arg0: i32) -> (i32, i32) {
    %c0_i32 = arith.constant 0 : i32
    %c0_i32_0 = arith.constant 0 : i32
    %c0_i32_1 = arith.constant 0 : i32
    return %c0_i32, %c0_i32_0 : i32, i32
  }
  func.func @transform_14(%arg0: i32) -> (i32, i32) {
    %c0_i32 = arith.constant 0 : i32
    %c0_i32_0 = arith.constant 0 : i32
    %c0_i32_1 = arith.constant 0 : i32
    return %c0_i32, %c0_i32_0 : i32, i32
  }
  func.func @transform_15(%arg0: i32) -> (i32, i32) {
    %c0_i32 = arith.constant 0 : i32
    %c0_i32_0 = arith.constant 0 : i32
    return %arg0, %c0_i32 : i32, i32
  }
  func.func @transform_16(%arg0: i32) -> (i32, i32) {
    %c0_i32 = arith.constant 0 : i32
    %c0_i32_0 = arith.constant 0 : i32
    return %arg0, %c0_i32 : i32, i32
  }
}

</mosaic_0001>

<sc_bundles>
// kernel: kernel.5.cloned.1.call-start
scs
__scs_entry_jumppad:
0x0: {  	(pc) =	sbr.rel $0x88, $3  }
0x1: {  	(tag) =	ssettag $0x0;
	lr =	simm.s32 $0x1  }
0x2: {  	[smem:$0x3F97] =	sst lr;
	_ =	strace $0xD0000000  }
0x3: {  	_ = 	snop  }
0x4: {  	_ = 	snop  }
0x5: {  	_ = 	snop  }
0x6: {  	_ = 	snop  }
0x7: {  	_ = 	snop  }
__scs_overlays_trampoline_lowered:
0x8: {  	[smem:$0x3FA6] =	sst s0  }
0x9: {  	[smem:$0x3FA7] =	sst s1  }
0xa: {  	[smem:$0x3FA8] =	sst s2  }
0xb: {  	[smem:$0x3FA9] =	sst s3  }
0xc: {  	[smem:$0x3FAA] =	sst s4  }
0xd: {  	[smem:$0x3FAB] =	sst s5  }
0xe: {  	[smem:$0x3FAC] =	sst s6  }
0xf: {  	[smem:$0x3FAD] =	sst s7  }
0x10: {  	[smem:$0x3FAE] =	sst s8  }
0x11: {  	[smem:$0x3FAF] =	sst s9;
	s0 =	simm.s32 @!p0 $0x0  }
0x12: {  	s1 =	sld [smem:$0x3F95];
	s0 =	simm.s32 @p0 $0x1  }
0x13: {  	[smem:$0x3FB0] =	sst s0;
	s0 =	simm.s32 @!p1 $0x0  }
0x14: {  	s2 =	sld [smem:$0x3F94];
	s0 =	simm.s32 @p1 $0x1  }
0x15: {  	[smem:$0x3FB1] =	sst s0;
	s0 =	simm.s32 @!p2 $0x0  }
0x16: {  	s3 =	sld [smem:$0x3FDB];
	s0 =	simm.s32 @p2 $0x1  }
0x17: {  	s4 =	simm.s32 $0x1BF5;
	[smem:$0x3FB3] =	sst s0  }
0x18: {  	s0 =	sld [smem:$0x3F96];
	_ =	swait.ge [sflag:s4], $0x0  }
0x19: {  	s7 =	sld [smem:$0x3F97]  }
0x1a: {  	s8 =	sadd.s32 $0xFFFFE003, lr  }
0x1b: {  	s9 =	sadd.s32 $0xFFFFFEF7, lr;
	s5 =	simm.s32 $0xFFFFFFFF;
	p2 =	slt.u32 s8, $0xFFFFF086  }
0x1c: {  	p1 =	slt.u32 s9, $0xF7A;
	s5 =	simm.s32 @!p2 $0x0  }
0x1d: {  	s5 =	simm.s32 @p1 $0x1;
	p0 =	seq.s32 s7, s2  }
0x1e: {  	s7 =	smul.u32 @!p0 $0xF7A, s2;
	p2 =	seq.s32 @!p0 s5, $0x0  }
0x1f: {  	s9 =	smul.u32 $0xF7A, s1;
	s8 =	simm.s32 @!p0 $0x1BF5;
	p2 =	por !p2, p0  }
0x20: {  	[sflag:s8] =	ssyncset.s32 @!p0 $0xFFFFF086;
	s6 =	sadd.s32 @!p0 s3, s7;
	s7 =	simm.s32 @!p0 $0x108  }
0x21: {  	s3 =	sadd.s32 s3, s9;
	s6 =	sadd.s32 @!p0 $0x88, s6;
	s7 =	simm.s32 @p2 $0x1082  }
0x22: {  	[simem:s7], [sflag:s8] =	dma.local @!p0 [hbm:s6], $0xF7A  }
0x23: {  	s9 =	sor.u32 $0xD0000000, s2;
	s6 =	simm.s32 $0x108;
	_ =	swait.ge @!p0 [sflag:s8], $0x0  }
0x24: {  	s3 =	sadd.s32 $0x88, s3;
	s6 =	simm.s32 @!p1 $0x1082;
	[sflag:s4] =	ssyncset.s32 $0xFFFFF086  }
0x25: {  	[simem:s6], [sflag:s4] =	dma.local [hbm:s3], $0xF7A  }
0x26: {  	[smem:$0x3F97] =	sst s1;
	(tag) =	ssettag s2;
	_ =	strace s9  }
0x27: {  	s1 =	sld [smem:$0x3FA7]  }
0x28: {  	s2 =	sld [smem:$0x3FA8]  }
0x29: {  	s4 =	sld [smem:$0x3FAA]  }
0x2a: {  	p0 =	seq.s32 s5, $0x0;
	s5 =	sld [smem:$0x3FAB]  }
0x2b: {  	s6 =	sld [smem:$0x3FAC]  }
0x2c: {  	s7 =	sld [smem:$0x3FAD]  }
0x2d: {  	s3 =	simm.s32 $0x108;
	s8 =	sld [smem:$0x3FAE]  }
0x2e: {  	s3 =	simm.s32 @!p0 $0x1082;
	s9 =	sld [smem:$0x3FAF]  }
0x2f: {  	lr =	sadd.s32 s0, s3;
	s0 =	sld [smem:$0x3FA6]  }
0x30: {  	s3 =	sld [smem:$0x3FA9]  }
0x31: {  	[smem:$0x3FB2] =	sst s10  }
0x32: {  	s10 =	sld [smem:$0x3FB0];
	_ =	sdelay $0x3  }
0x33: {  	p0 =	seq.s32 s10, $0x1;
	s10 =	sld [smem:$0x3FB2];
	_ =	sdelay $0x3  }
0x34: {  	[smem:$0x3FB2] =	sst s10  }
0x35: {  	s10 =	sld [smem:$0x3FB1];
	_ =	sdelay $0x3  }
0x36: {  	p1 =	seq.s32 s10, $0x1;
	s10 =	sld [smem:$0x3FB2];
	_ =	sdelay $0x3  }
0x37: {  	[smem:$0x3FB2] =	sst s10  }
0x38: {  	s10 =	sld [smem:$0x3FB3]  }
0x39: {  	_ = 	snop;
	(pc) =	sbr.ind lr, $3  }
0x3a: {  	_ = 	snop  }
0x3b: {  	_ = 	snop  }
0x3c: {  	p2 =	seq.s32 s10, $0x1;
	s10 =	sld [smem:$0x3FB2]  }
0x3d: {  	_ =	shalt  }
0x3e: {  	_ =	shalt  }
0x3f: {  	_ =	shalt  }
0x40: {  	_ =	shalt  }
0x41: {  	_ =	shalt  }
0x42: {  	_ =	shalt  }
0x43: {  	_ =	shalt  }
0x44: {  	_ =	shalt  }
0x45: {  	_ =	shalt  }
0x46: {  	_ =	shalt  }
0x47: {  	_ =	shalt  }
0x48: {  	_ =	shalt  }
0x49: {  	_ =	shalt  }
0x4a: {  	_ =	shalt  }
0x4b: {  	_ =	shalt  }
0x4c: {  	_ =	shalt  }
0x4d: {  	_ =	shalt  }
0x4e: {  	_ =	shalt  }
0x4f: {  	_ =	shalt  }
0x50: {  	_ =	shalt  }
0x51: {  	_ =	shalt  }
0x52: {  	_ =	shalt  }
0x53: {  	_ =	shalt  }
0x54: {  	_ =	shalt  }
0x55: {  	_ =	shalt  }
0x56: {  	_ =	shalt  }
0x57: {  	_ =	shalt  }
0x58: {  	_ =	shalt  }
0x59: {  	_ =	shalt  }
0x5a: {  	_ =	shalt  }
0x5b: {  	_ =	shalt  }
0x5c: {  	_ =	shalt  }
0x5d: {  	_ =	shalt  }
0x5e: {  	_ =	shalt  }
0x5f: {  	_ =	shalt  }
0x60: {  	_ =	shalt  }
0x61: {  	_ =	shalt  }
0x62: {  	_ =	shalt  }
0x63: {  	_ =	shalt  }
0x64: {  	_ =	shalt  }
0x65: {  	_ =	shalt  }
0x66: {  	_ =	shalt  }
0x67: {  	_ =	shalt  }
0x68: {  	_ =	shalt  }
0x69: {  	_ =	shalt  }
0x6a: {  	_ =	shalt  }
0x6b: {  	_ =	shalt  }
0x6c: {  	_ =	shalt  }
0x6d: {  	_ =	shalt  }
0x6e: {  	_ =	shalt  }
0x6f: {  	_ =	shalt  }
0x70: {  	_ =	shalt  }
0x71: {  	_ =	shalt  }
0x72: {  	_ =	shalt  }
0x73: {  	_ =	shalt  }
0x74: {  	_ =	shalt  }
0x75: {  	_ =	shalt  }
0x76: {  	_ =	shalt  }
0x77: {  	_ =	shalt  }
0x78: {  	_ =	shalt  }
0x79: {  	_ =	shalt  }
0x7a: {  	_ =	shalt  }
0x7b: {  	_ =	shalt  }
0x7c: {  	_ =	shalt  }
0x7d: {  	_ =	shalt  }
0x7e: {  	_ =	shalt  }
0x7f: {  	_ =	shalt  }
0x80: {  	_ =	shalt  }
0x81: {  	_ =	shalt  }
0x82: {  	_ =	shalt  }
0x83: {  	_ =	shalt  }
0x84: {  	_ =	shalt  }
0x85: {  	_ =	shalt  }
0x86: {  	_ =	shalt  }
0x87: {  	_ =	shalt  }
.Lfunc_end0:
.L_simem_size_0:
called_computation_lowered:
.L_overlay_start_0:
0x88: {  	s2 =	sld [smem:$0x3FD9]  }
0x89: {  	s3 =	sld [smem:$0x3FFE];
	_ =	sdelay $0x1  }
0x8a: {  	s1 =	srdreg.scid  }
0x8b: {  	s0 =	sand.u32 $0x1, s1  }
0x8c: {  	s14 =	sshll.u32 s0, $0xA;
	s2 =	sadd.s32 s3, s2  }
0x8d: {  	s2 =	sadd.s32 s2, s14  }
0x8e: {  	[smem:$0x3FBE] =	sst s2  }
0x8f: {  	_ = 	snop  }
0x90: {  	s2 =	sld [smem:$0x3FD0];
	_ =	sdelay $0x2  }
0x91: {  	s15 =	simm.s32 $0xA;
	s4 =	simm.s32 $0x10  }
0x92: {  	[smem:s4], [sflag:s15] =	dma.local [hbm:s2], $0x1  }
0x93: {  	_ =	swait.eq [sflag:s15], $0x1  }
0x94: {  	[sflag:s15] =	ssyncset.done $0x0  }
0x95: {  	[sflag:s15] =	ssyncadd.s32 $0xFFFFFFFF  }
0x96: {  	s16 =	sld [smem:$0x10];
	(tm) =	ssettm $0x1  }
0x97: {  	s17 =	sld [smem:$0x3FFB];
	_ =	sdelay $0x3  }
0x98: {  	_ =	strace s17  }
0x99: {  	s3 =	sld [smem:$0x3FFC];
	_ =	sdelay $0x3  }
0x9a: {  	_ =	strace s3  }
0x9b: {  	s3 =	sld [smem:$0x3FFD];
	_ =	sdelay $0x3  }
0x9c: {  	_ =	strace s3  }
0x9d: {  	_ =	strace $0x8FFFFFFF  }
0x9e: {  	s18 =	sld [smem:$0x3FDB];
	_ =	sdelay $0x1  }
0x9f: {  	s19 =	simm.s32 $_scs_section_size  }
0xa0: {  	s5 =	simm.s32 $_size__tile_overlayer_lowered;
	s6 =	simm.s32 $_tile_overlayer_lowered  }
0xa1: {  	s22 =	simm.s32 $0x1BFF;
	s21 =	sshll.u32 s6, $0x1;
	s3 =	sadd.s32 s19, s18  }
0xa2: {  	s7 =	simm.s32 $0x0;
	s20 =	sshll.u32 s5, $0x1;
	s5 =	sadd.s32 s21, s3  }
0xa3: {  	[timem:s7], [sflag:s22] =	dma.local [hbm:s5], s20  }
0xa4: {  	_ =	swait.ge [sflag:s22], s20  }
0xa5: {  	s4 =	ssub.s32 $0x0, s20;
	[sflag:s22] =	ssyncset.done $0x0  }
0xa6: {  	[sflag:s22] =	ssyncadd.s32 s4;
	_ =	sdelay $0x1  }
0xa7: {  	s23 =	simm.s32 $0x1B8B  }
0xa8: {  	_ =	swait.ge [sflag:s23], $0x1  }
0xa9: {  	[sflag:s23] =	ssyncset.done $0x0  }
0xaa: {  	s25 =	simm.s32 $0x1B8E;
	s24 =	sld [smem:$0x3FFE];
	[sflag:s23] =	ssyncadd.s32 $0xFFFFFFFF  }
0xab: {  	s26 =	simm.s32 $execute0_lowered;
	[smem:$0x3FD2] =	sst s25  }
0xac: {  	s5 =	sshll.u32 s26, $0x1;
	_ =	strace $0x80000046;
	[dreg:$0x1] =	wrdreg $0xFFFFFFFF  }
0xad: {  	s28 =	simm.s32 $_size_execute0_lowered;
	s3 =	sadd.s32 s3, s5;
	[dreg:$0x0] =	wrdreg $0x0  }
0xae: {  	s5 =	sshll.u32 s28, $0x1;
	[dreg:$0x2] =	wrdreg s3  }
0xaf: {  	[dreg:$0x3] =	wrdreg s5  }
0xb0: {  	[dreg:$0x4] =	wrdreg $0xC0  }
0xb1: {  	_ =	task [dreg:s7], $0x5FFFF  }
0xb2: {  	[dreg:$0x1] =	wrdreg $0xFFFFFFFF  }
0xb3: {  	[dreg:$0x0] =	wrdreg $0x60  }
0xb4: {  	[dreg:$0x2] =	wrdreg s24  }
0xb5: {  	[dreg:$0x3] =	wrdreg s16  }
0xb6: {  	[dreg:$0x4] =	wrdreg $0x90000  }
0xb7: {  	[dreg:$0x5] =	wrdreg $0x9  }
0xb8: {  	_ =	task.clear_ibuf [dreg:s7], $0x6FFFF;
	_ =	strace $0x90000046  }
0xb9: {  	s29 =	simm.s32 $0x9;
	_ =	strace $0x80000048  }
0xba: {  	_ =	swait.ge [sflag:s29], $0x1  }
0xbb: {  	[sflag:s29] =	ssyncadd.s32 $0xFFFFFFFF  }
0xbc: {  	_ =	strace $0x90000048  }
0xbd: {  	_ =	sfence  }
0xbe: {  	s30 =	sld [smem:$0x0];
	_ =	sdelay $0x2  }
0xbf: {  	s31 =	sshll.u32 s1, $0xD;
	s1 =	sshrl.u32 s1, $0x2  }
0xc0: {  	s3 =	sand.u32 $0x4000, s31;
	s1 =	sadd.s32 s1, s30  }
0xc1: {  	s0 =	sor.u32 s3, s0;
	s1 =	sshll.u32 s1, $0x11  }
0xc2: {  	s0 =	sor.u32 s1, s0  }
0xc3: {  	s0 =	sadd.s32 $0x8F2B, s0  }
0xc4: {  	[sflag:s0] =	ssyncadd.remote.s32 $0x1  }
0xc5: {  	_ =	sfence.sel $0xFFFF  }
0xc6: {  	[dreg:$0x0] =	wrdreg $0xFFFFFFFF;
	(pc) =	sbr.abs _section_cstart, $3  }
0xc7: {  	[dreg:$0x1] =	wrdreg $0xFFFFFFFF  }
0xc8: {  	_ =	task.clear_ibuf [dreg:s7], $0x2FFFF;
	_ =	strace $0x9FFFFFFF  }
0xc9: {  	(tm) =	ssettm $0x7FFFFFFF  }
tec
execute0_lowered:
.L_overlay_start_1:
0x0: {  	(tag) =	ssettag $0x1  }
0x1: {  	s5 =	rddreg [dreg:$0x0]  }
0x2: {  	s6 =	rddreg [dreg:$0x1]  }
0x3: {  	s2 =	rddreg [dreg:$0x2]  }
0x4: {  	s0 =	rddreg [dreg:$0x3];
	s3 =	simm.s32 $0x0;
	s1 =	stileid.u32  }
0x5: {  	s8 =	srdreg.scid;
	s17 =	simm.s32 $0x4000;
	s18 =	simm.s32 $0x6800  }
0x6: {  	s19 =	simm.s32 $0x1;
	s20 =	simm.s32 $0x50;
	s21 =	simm.s32 $0x2  }
0x7: {  	s22 =	simm.s32 $0x3E00;
	s23 =	simm.s32 $0x0;
	[smem:$0x7FF] =	sst s3  }
0x8: {  	s4 =	sshll.u32 s1, $0xB;
	s9 =	smul.u32 $0x278, s1;
	s14 =	sadd.s32 $0x75DA00, s5  }
0x9: {  	s26 =	sand.u32 $0x1, s8;
	s12 =	smul.u32 $0x138800, s1;
	s30 =	sshll.u32 s1, $0x6  }
0xa: {  	_ =	strace $0x80000047;
	s7 =	sadd.s32 s4, s5;
	s4 =	sadd.s32 $0x27BA00, s5  }
0xb: {  	s8 =	ssub.s32 $0x2, s26;
	s10 =	smul.u32 $0x1388000, s26;
	s9 =	smin.u32 s9, $0x2498  }
0xc: {  	s28 =	sshrl.u32 s8, $0x1;
	s7 =	sadd.s32 $0x2A00, s7;
	s11 =	sshll.u32 s9, $0x7  }
0xd: {  	s13 =	ssub.s32 s8, s28;
	s29 =	sshll.u32 s9, $0x4;
	s12 =	sadd.s32 s12, s10  }
0xe: {  	s15 =	sadd.s32 s11, s2;
	s5 =	sadd.s32 s6, s29;
	s6 =	sor.u32 $0x1C03, s30  }
0xf: {  	s31 =	sshrl.u32 s12, $0x3;
	s16 =	sadd.s32 $0x2800, s12;
	s11 =	smax.u32 s13, $0x1  }
0x10: {  	s12 =	sadd.s32 $0x5000, s12;
	s8 =	sadd.s32 s4, s31;
	s9 =	sadd.s32 s31, s14  }
0x11: {  	s16 =	sshrl.u32 s16, $0x3;
	s15 =	sshrl.u32 s15, $0x3;
	s10 =	sadd.s32 $0x26C00, s9  }
0x12: {  	s13 =	sadd.s32 s16, s4;
	s14 =	sadd.s32 s16, s14;
	s16 =	simm.s32 $0x3  }
.LBB2_1:
0x13: {  	[spmem:s15], [sflag:s6] =	dma.local [hbm:s5], $0x2780  }
0x14: {  	_ =	swait.ge [sflag:s16], $0x2780  }
0x15: {  	[sflag:s16] =	ssyncset.done $0x0  }
0x16: {  	[sflag:s16] =	ssyncadd.s32 $0xFFFFD880  }
0x17: {  	[tilespmem:s3], [sflag:$0x3] =	stream.linear.gather [hbm4b:s7+s3], $0x3E80, $0x38;
	[tilespmem:$0x1C880] =	vst v63  }
0x18: {  	_ =	swait.ge [sflag:s16], $0x3E80  }
0x19: {  	[sflag:s16] =	ssyncset.done $0x0  }
0x1a: {  	[sflag:s16] =	ssyncadd.s32 $0xFFFFC180  }
0x1b: {  	[bflag:$0x0] =	sbarrier.arrive $0xFFFF  }
0x1c: {  	[tilespmem:s17], [sflag:$0x1] =	stream.linear.gather [hbm4b:s8+s3], $0x2800, $0x38;
	[tilespmem:$0x1C880] =	vst v63  }
0x1d: {  	s24 =	sadd.s32 $0x0, s13  }
0x1e: {  	[tilespmem:s18], [sflag:$0x2] =	stream.linear.gather [hbm4b:s24+s3], $0x2800, $0x38;
	[tilespmem:$0x1C880] =	vst v63  }
0x1f: {  	_ =	swait.ge [sflag:s19], $0x2800  }
0x20: {  	[sflag:s19] =	ssyncset.done $0x0  }
0x21: {  	[sflag:s19] =	ssyncadd.s32 $0xFFFFD800  }
0x22: {  	[spmem:s2] =	stream.indirect.scatter.add.f32 [tilespmem:s17], [sflag:$0x3], $0x80, s3, s20, $0xb8;
	[tilespmem:$0x1C880] =	vst v63  }
0x23: {  	_ =	swait.ge [sflag:s16], $0x2800  }
0x24: {  	s30 =	sshrl.u32 s12, $0x3;
	[sflag:s16] =	ssyncset.done $0x0  }
0x25: {  	s24 =	sadd.s32 s4, s30;
	[sflag:s16] =	ssyncadd.s32 $0xFFFFD800  }
0x26: {  	[tilespmem:s17], [sflag:$0x1] =	stream.linear.gather [hbm4b:s24+s3], $0x2800, $0x38;
	[tilespmem:$0x1C880] =	vst v63  }
0x27: {  	_ =	swait.ge [sflag:s21], $0x2800  }
0x28: {  	[sflag:s21] =	ssyncset.done $0x0  }
0x29: {  	s31 =	simm.s32 $0x80;
	[sflag:s21] =	ssyncadd.s32 $0xFFFFD800  }
0x2a: {  	[spmem:s2] =	stream.indirect.scatter.add.f32 [tilespmem:s18], [sflag:$0x3], $0x80, s31, s20, $0xb8;
	[tilespmem:$0x1C880] =	vst v63  }
0x2b: {  	s26 =	simm.s32 $0xA00;
	s28 =	simm.s32 $0x1400;
	_ =	swait.ge [sflag:s16], $0x2800  }
0x2c: {  	s25 =	sadd.s32 $0x5000, s12;
	s24 =	simm.s32 $0x100;
	[sflag:s16] =	ssyncset.done $0x0  }
.LBB2_2:
0x2d: {  	s29 =	sadd.s32 s26, s13  }
0x2e: {  	[sflag:s16] =	ssyncadd.s32 $0xFFFFD800;
	s26 =	smov.u32 s28;
	s30 =	sadd.s32 $0xA00, s28  }
0x2f: {  	[tilespmem:s18], [sflag:$0x2] =	stream.linear.gather [hbm4b:s29+s3], $0x2800, $0x38;
	[tilespmem:$0x1C880] =	vst v63  }
0x30: {  	p0 =	sne.s32 s28, $0x26200;
	_ =	swait.ge [sflag:s19], $0x2800  }
0x31: {  	[sflag:s19] =	ssyncset.done $0x0  }
0x32: {  	[sflag:s19] =	ssyncadd.s32 $0xFFFFD800  }
0x33: {  	[spmem:s2] =	stream.indirect.scatter.add.f32 [tilespmem:s17], [sflag:$0x3], $0x80, s24, s20, $0xb8;
	[tilespmem:$0x1C880] =	vst v63  }
0x34: {  	_ =	swait.ge [sflag:s16], $0x2800  }
0x35: {  	s28 =	sshrl.u32 s25, $0x3;
	[sflag:s16] =	ssyncset.done $0x0  }
0x36: {  	s28 =	sadd.s32 s4, s28;
	[sflag:s16] =	ssyncadd.s32 $0xFFFFD800  }
0x37: {  	[tilespmem:s17], [sflag:$0x1] =	stream.linear.gather [hbm4b:s28+s3], $0x2800, $0x38;
	[tilespmem:$0x1C880] =	vst v63  }
0x38: {  	_ =	swait.ge [sflag:s21], $0x2800  }
.Ltmp0:
0x39: {  	[sflag:s21] =	ssyncset.done $0x0;
	(pc) =	sbr.rel @p0 .LBB2_2-.Ltmp0, $4  }
0x3a: {  	s28 =	sadd.s32 $0x80, s24;
	[sflag:s21] =	ssyncadd.s32 $0xFFFFD800  }
0x3b: {  	[spmem:s2] =	stream.indirect.scatter.add.f32 [tilespmem:s18], [sflag:$0x3], $0x80, s28, s20, $0xb8;
	[tilespmem:$0x1C880] =	vst v63  }
0x3c: {  	s25 =	sadd.s32 $0x5000, s25;
	_ =	swait.ge [sflag:s16], $0x2800  }
0x3d: {  	s24 =	sadd.s32 $0x100, s24;
	s28 =	smov.u32 s30;
	[sflag:s16] =	ssyncset.done $0x0  }
0x3e: {  	s26 =	sadd.s32 s26, s13;
	[sflag:s16] =	ssyncadd.s32 $0xFFFFD800  }
0x3f: {  	[tilespmem:s18], [sflag:$0x2] =	stream.linear.gather [hbm4b:s26+s3], $0x2800, $0x38;
	[tilespmem:$0x1C880] =	vst v63  }
0x40: {  	_ =	swait.ge [sflag:s19], $0x2800  }
0x41: {  	[sflag:s19] =	ssyncset.done $0x0  }
0x42: {  	[sflag:s19] =	ssyncadd.s32 $0xFFFFD800  }
0x43: {  	[spmem:s2] =	stream.indirect.scatter.add.f32 [tilespmem:s17], [sflag:$0x3], $0x80, s24, s20, $0xb8;
	[tilespmem:$0x1C880] =	vst v63  }
0x44: {  	_ =	swait.ge [sflag:s16], $0x2800  }
0x45: {  	s25 =	sshrl.u32 s25, $0x3;
	[sflag:s16] =	ssyncset.done $0x0  }
0x46: {  	s25 =	sadd.s32 s4, s25;
	[sflag:s16] =	ssyncadd.s32 $0xFFFFD800  }
0x47: {  	[tilespmem:s17], [sflag:$0x1] =	stream.linear.gather [hbm4b:s25+s3], $0x2800, $0x38;
	[tilespmem:$0x1C880] =	vst v63  }
0x48: {  	_ =	swait.ge [sflag:s21], $0x2800  }
0x49: {  	[sflag:s21] =	ssyncset.done $0x0  }
0x4a: {  	s25 =	sadd.s32 $0x80, s24;
	[sflag:s21] =	ssyncadd.s32 $0xFFFFD800  }
0x4b: {  	[spmem:s2] =	stream.indirect.scatter.add.f32 [tilespmem:s18], [sflag:$0x3], $0x80, s25, s20, $0xb8;
	[tilespmem:$0x1C880] =	vst v63  }
0x4c: {  	_ =	swait.ge [sflag:s16], $0x2800  }
0x4d: {  	[sflag:s16] =	ssyncset.done $0x0  }
0x4e: {  	[sflag:s16] =	ssyncadd.s32 $0xFFFFD800  }
0x4f: {  	_ =	swait.ge [sflag:s19], $0x2800  }
0x50: {  	[sflag:s19] =	ssyncset.done $0x0  }
0x51: {  	[sflag:s19] =	ssyncadd.s32 $0xFFFFD800  }
0x52: {  	[spmem:s2] =	stream.indirect.scatter.add.f32 [tilespmem:s17], [sflag:$0x3], $0x80, s22, s20, $0xb8;
	[tilespmem:$0x1C880] =	vst v63  }
0x53: {  	_ =	swait.ge [sflag:s16], $0x2800  }
0x54: {  	[sflag:s16] =	ssyncset.done $0x0  }
0x55: {  	[sflag:s16] =	ssyncadd.s32 $0xFFFFD800  }
0x56: {  	s26 =	simm.s32 $0x0;
	[bflag:$0x0] =	sbarrier.arrive $0xFFFF  }
0x57: {  	[tilespmem:s17], [sflag:$0x1] =	stream.indirect.gather [spmem:s2], $0x80, s26, s20, $0xb8;
	[tilespmem:$0x1C880] =	vst v63  }
0x58: {  	s28 =	simm.s32 $0x80  }
0x59: {  	[tilespmem:s18], [sflag:$0x2] =	stream.indirect.gather [spmem:s2], $0x80, s28, s20, $0xb8;
	[tilespmem:$0x1C880] =	vst v63  }
0x5a: {  	_ =	swait.ge [sflag:s19], $0x2800  }
0x5b: {  	[sflag:s19] =	ssyncset.done $0x0  }
0x5c: {  	s29 =	sadd.s32 $0x0, s9;
	[sflag:s19] =	ssyncadd.s32 $0xFFFFD800  }
0x5d: {  	[hbm4b:s29+s3] =	stream.linear.scatter [tilespmem:s17], [sflag:$0x3], $0x2800, $0x38;
	[tilespmem:$0x1C880] =	vst v63  }
0x5e: {  	_ =	swait.ge [sflag:s16], $0x2800  }
0x5f: {  	[sflag:s16] =	ssyncset.done $0x0  }
0x60: {  	s30 =	simm.s32 $0x100;
	[sflag:s16] =	ssyncadd.s32 $0xFFFFD800  }
0x61: {  	[tilespmem:s17], [sflag:$0x1] =	stream.indirect.gather [spmem:s2], $0x80, s30, s20, $0xb8;
	[tilespmem:$0x1C880] =	vst v63  }
0x62: {  	_ =	swait.ge [sflag:s21], $0x2800  }
0x63: {  	[sflag:s21] =	ssyncset.done $0x0  }
0x64: {  	s31 =	sadd.s32 $0x0, s14;
	[sflag:s21] =	ssyncadd.s32 $0xFFFFD800  }
0x65: {  	[hbm4b:s31+s3] =	stream.linear.scatter [tilespmem:s18], [sflag:$0x3], $0x2800, $0x38;
	[tilespmem:$0x1C880] =	vst v63  }
0x66: {  	s24 =	simm.s32 $0xA00;
	_ =	swait.ge [sflag:s16], $0x2800  }
0x67: {  	s25 =	simm.s32 $0x200;
	s26 =	simm.s32 $0x1400;
	[sflag:s16] =	ssyncset.done $0x0  }
.LBB2_4:
0x68: {  	p0 =	sne.s32 s26, $0x26200;
	s28 =	sadd.s32 $0xFFFFFF80, s25;
	[sflag:s16] =	ssyncadd.s32 $0xFFFFD800  }
0x69: {  	[tilespmem:s18], [sflag:$0x2] =	stream.indirect.gather [spmem:s2], $0x80, s28, s20, $0xb8;
	[tilespmem:$0x1C880] =	vst v63  }
0x6a: {  	s28 =	smov.u32 s26;
	s26 =	sadd.s32 $0xA00, s26;
	_ =	swait.ge [sflag:s19], $0x2800  }
0x6b: {  	[sflag:s19] =	ssyncset.done $0x0  }
0x6c: {  	s29 =	sadd.s32 s24, s9;
	[sflag:s19] =	ssyncadd.s32 $0xFFFFD800  }
0x6d: {  	[hbm4b:s29+s3] =	stream.linear.scatter [tilespmem:s17], [sflag:$0x3], $0x2800, $0x38;
	[tilespmem:$0x1C880] =	vst v63  }
0x6e: {  	_ =	swait.ge [sflag:s16], $0x2800  }
0x6f: {  	[sflag:s16] =	ssyncset.done $0x0  }
0x70: {  	[sflag:s16] =	ssyncadd.s32 $0xFFFFD800  }
0x71: {  	[tilespmem:s17], [sflag:$0x1] =	stream.indirect.gather [spmem:s2], $0x80, s25, s20, $0xb8;
	[tilespmem:$0x1C880] =	vst v63  }
0x72: {  	_ =	swait.ge [sflag:s21], $0x2800  }
.Ltmp1:
0x73: {  	[sflag:s21] =	ssyncset.done $0x0;
	(pc) =	sbr.rel @p0 .LBB2_4-.Ltmp1, $4  }
0x74: {  	s29 =	sadd.s32 s24, s14;
	s24 =	smov.u32 s28;
	[sflag:s21] =	ssyncadd.s32 $0xFFFFD800  }
0x75: {  	[hbm4b:s29+s3] =	stream.linear.scatter [tilespmem:s18], [sflag:$0x3], $0x2800, $0x38;
	[tilespmem:$0x1C880] =	vst v63  }
0x76: {  	_ =	swait.ge [sflag:s16], $0x2800  }
0x77: {  	s25 =	sadd.s32 $0x100, s25;
	[sflag:s16] =	ssyncset.done $0x0  }
0x78: {  	s26 =	sadd.s32 $0xFFFFFF80, s25;
	[sflag:s16] =	ssyncadd.s32 $0xFFFFD800  }
0x79: {  	[tilespmem:s18], [sflag:$0x2] =	stream.indirect.gather [spmem:s2], $0x80, s26, s20, $0xb8;
	[tilespmem:$0x1C880] =	vst v63  }
0x7a: {  	_ =	swait.ge [sflag:s19], $0x2800  }
0x7b: {  	[sflag:s19] =	ssyncset.done $0x0  }
0x7c: {  	s30 =	sadd.s32 s24, s9;
	[sflag:s19] =	ssyncadd.s32 $0xFFFFD800  }
0x7d: {  	[hbm4b:s30+s3] =	stream.linear.scatter [tilespmem:s17], [sflag:$0x3], $0x2800, $0x38;
	[tilespmem:$0x1C880] =	vst v63  }
0x7e: {  	_ =	swait.ge [sflag:s16], $0x2800  }
0x7f: {  	[sflag:s16] =	ssyncset.done $0x0  }
0x80: {  	[sflag:s16] =	ssyncadd.s32 $0xFFFFD800  }
0x81: {  	[tilespmem:s17], [sflag:$0x1] =	stream.indirect.gather [spmem:s2], $0x80, s25, s20, $0xb8;
	[tilespmem:$0x1C880] =	vst v63  }
0x82: {  	_ =	swait.ge [sflag:s21], $0x2800  }
0x83: {  	[sflag:s21] =	ssyncset.done $0x0  }
0x84: {  	s31 =	sadd.s32 s24, s14;
	[sflag:s21] =	ssyncadd.s32 $0xFFFFD800  }
0x85: {  	[hbm4b:s31+s3] =	stream.linear.scatter [tilespmem:s18], [sflag:$0x3], $0x2800, $0x38;
	[tilespmem:$0x1C880] =	vst v63  }
0x86: {  	_ =	swait.ge [sflag:s16], $0x2800  }
0x87: {  	[sflag:s16] =	ssyncset.done $0x0  }
0x88: {  	[sflag:s16] =	ssyncadd.s32 $0xFFFFD800  }
0x89: {  	s23 =	sadd.s32 $0x1, s23;
	_ =	swait.ge [sflag:s19], $0x2800  }
0x8a: {  	p0 =	sne.s32 s23, s11;
	[sflag:s19] =	ssyncset.done $0x0  }
.Ltmp2:
0x8b: {  	[sflag:s19] =	ssyncadd.s32 $0xFFFFD800;
	(pc) =	sbr.rel @p0 .LBB2_1-.Ltmp2, $4  }
0x8c: {  	[hbm4b:s10+s3] =	stream.linear.scatter [tilespmem:s17], [sflag:$0x3], $0x2800, $0x38;
	[tilespmem:$0x1C880] =	vst v63  }
0x8d: {  	_ =	swait.ge [sflag:s16], $0x2800  }
0x8e: {  	[sflag:s16] =	ssyncset.done $0x0  }
0x8f: {  	[sflag:s16] =	ssyncadd.s32 $0xFFFFD800  }
0x90: {  	_ =	sfence.sel $0x180000  }
0x91: {  	[bflag:$0x0] =	sbarrier.arrive $0xFFFF  }
0x92: {  	p0 =	sne.s32 s1, $0x0;
	_ =	strace $0x90000047  }
0x93: {  	s0 =	sadd.s32 @!p0 $0x100000, s0;
	[bflag:$0x2] =	sbarrier.arrive $0xFFFF  }
0x94: {  	[sflag:s0] =	ssyncadd.tile.s32 @!p0 $0x1;
	_ =	shalt  }
.Lfunc_end2:
_tile_overlayer_lowered:
.L_overlay_start_2:
0x95: {  	(tag) =	ssettag $0x2  }
0x96: {  	s0 =	rddreg [dreg:$0x0];
	s2 =	stileid.u32  }
0x97: {  	s1 =	rddreg [dreg:$0x1];
	p0 =	sne.s32 s2, $0x0  }
0x98: {  	s3 =	rddreg [dreg:$0x2];
	[bflag:$0x3] =	sbarrier.arrive $0xFFFF;
	s2 =	simm.s32 @!p0 $0x1C03  }
0x99: {  	[timem:s3], [sflag:s2] =	dma.local @!p0 [hbm:s0], s1  }
0x9a: {  	s0 =	simm.s32 @!p0 $0x3  }
0x9b: {  	_ =	swait.ge @!p0 [sflag:s0], s1  }
0x9c: {  	s1 =	ssub.s32 @!p0 $0x0, s1;
	[sflag:s0] =	ssyncset.done @!p0 $0x0  }
0x9d: {  	[sflag:s0] =	ssyncadd.s32 @!p0 s1  }
0x9e: {  	[bflag:$0x3] =	sbarrier.arrive $0xFFFF  }
0x9f: {  	_ =	shalt  }

</sc_bundles>
